<compile_context>
chip_gen: v7x
topology: tpu7x:2x2x1
jax: 0.10.2.dev20260603
libtpu: 0.0.44.dev20260713+nightly
codegen_flags: <defaults>
</compile_context>

<pallas_src>
import functools

import jax
import jax.numpy as jnp
from jax import lax
from jax.experimental import pallas as pl
from jax.experimental.pallas import tpu as pltpu
from jax.experimental.pallas import tpu_sc as plsc

NC = 2
NS = 16
NW = NC * NS
LANES = 16

_CB = 4096
_CBSH = 12


def _pack_block(x_ref, o_ref):
    x = x_ref[...]
    u = lax.bitcast_convert_type(x, jnp.uint32)
    h = jnp.uint32(0x8000)
    for c in range(4):
        uc = u[:, c * _CB : (c + 1) * _CB]
        w = ((uc[0:32, :] + h) >> 16) | ((uc[32:64, :] + h) & jnp.uint32(0xFFFF0000))
        o_ref[:, 32 * c : 32 * (c + 1)] = w.T


def _relayout_table(tableT):
    D, V = tableT.shape
    nblk = pl.cdiv(V, 4 * _CB)
    return pl.pallas_call(
        _pack_block,
        grid=(nblk,),
        in_specs=[pl.BlockSpec((D, 4 * _CB), lambda i: (0, i))],
        out_specs=pl.BlockSpec((_CB, 2 * D), lambda i: (i, 0)),
        out_shape=jax.ShapeDtypeStruct((nblk * _CB, 2 * D), jnp.uint32),
        compiler_params=pltpu.CompilerParams(
            dimension_semantics=("parallel",)
        ),
    )(tableT)


def _make_pool_kernel(B, L, D, V):
    assert B % NW == 0
    bpw = B // NW
    assert L % 2 == 0
    half = L // 2
    assert half <= 128
    nvec = D // (2 * LANES)

    mesh = plsc.VectorSubcoreMesh(core_axis_name="c", subcore_axis_name="s")

    @functools.partial(
        pl.kernel,
        out_type=jax.ShapeDtypeStruct((B, D), jnp.float32),
        mesh=mesh,
        scratch_types=[
            pltpu.VMEM((bpw, 2, half), jnp.int32),
            pltpu.VMEM((4, 2, half, D // 2), jnp.uint32),
            pltpu.VMEM((bpw, D), jnp.float32),
            pltpu.SemaphoreType.DMA,
            pltpu.SemaphoreType.DMA,
            pltpu.SemaphoreType.DMA,
            pltpu.SemaphoreType.DMA,
        ],
        compiler_params=pltpu.CompilerParams(use_tc_tiling_on_sc=False),
    )
    def pool(
        idx_hbm, table_hbm, out_hbm, idx_v, rows_v, acc_v,
        sem0, sem1, sem2, sem3,
    ):
        wid = lax.axis_index("s") * NC + lax.axis_index("c")
        base = wid * bpw
        pltpu.sync_copy(idx_hbm.at[pl.ds(base, bpw)], idx_v)

        sems = (sem0, sem1, sem2, sem3)

        def issue(b, buf):
            for c in range(2):
                pltpu.async_copy(
                    table_hbm.at[idx_v.at[b, c]], rows_v.at[buf, c], sems[buf]
                )

        def wait(b, buf):
            for c in range(2):
                pltpu.make_async_copy(
                    table_hbm.at[idx_v.at[b, c]], rows_v.at[buf, c], sems[buf]
                ).wait()

        def reduce_into(buf, b):
            hi_mask = jnp.full((LANES,), 0xFFFF0000, jnp.uint32)

            def body(j, accs):
                out = list(accs)
                for k in range(nvec):
                    for c in range(2):
                        u = rows_v[buf, c, j, pl.ds(LANES * k, LANES)]
                        lo = lax.bitcast_convert_type(u << 16, jnp.float32)
                        hi = lax.bitcast_convert_type(u & hi_mask, jnp.float32)
                        out[k] = out[k] + lo
                        out[nvec + k] = out[nvec + k] + hi
                return tuple(out)

            accs = lax.fori_loop(
                0, half, body,
                tuple(jnp.zeros((LANES,), jnp.float32) for _ in range(2 * nvec)),
            )
            for k in range(2 * nvec):
                acc_v[b, pl.ds(LANES * k, LANES)] = accs[k]

        issue(0, 0)
        issue(1, 1)
        issue(2, 2)

        def quad(g, carry):
            b0 = 4 * g
            for ph in range(4):
                b = b0 + ph
                wait(b, ph)
                nxt = b + 3

                @pl.when(nxt < bpw)
                def _(nxt=nxt, nbuf=(ph + 3) % 4):
                    issue(nxt, nbuf)

                reduce_into(ph, b)
            return carry

        lax.fori_loop(0, bpw // 4, quad, 0)

        pltpu.sync_copy(acc_v, out_hbm.at[pl.ds(base, bpw)])

    return pool


def _mlp_block(x_ref, w1_ref, b1_ref, w2_ref, b2_ref, w3_ref, b3_ref, o_ref):
    h = jnp.dot(x_ref[...], w1_ref[...], preferred_element_type=jnp.float32)
    h = jnp.maximum(h + b1_ref[...], 0.0)
    h = jnp.dot(h, w2_ref[...], preferred_element_type=jnp.float32)
    h = jnp.maximum(h + b2_ref[...], 0.0)
    o_ref[...] = (
        jnp.dot(h, w3_ref[...], preferred_element_type=jnp.float32) + b3_ref[...]
    )


def _mlp(pooled, W1, b1, W2, b2, W3, b3):
    B, D = pooled.shape
    H = W1.shape[1]
    O = W3.shape[1]
    BM = 512
    grid = (B // BM,)
    return pl.pallas_call(
        _mlp_block,
        grid=grid,
        in_specs=[
            pl.BlockSpec((BM, D), lambda i: (i, 0)),
            pl.BlockSpec((D, H), lambda i: (0, 0)),
            pl.BlockSpec((1, H), lambda i: (0, 0)),
            pl.BlockSpec((H, H), lambda i: (0, 0)),
            pl.BlockSpec((1, H), lambda i: (0, 0)),
            pl.BlockSpec((H, O), lambda i: (0, 0)),
            pl.BlockSpec((1, O), lambda i: (0, 0)),
        ],
        out_specs=pl.BlockSpec((BM, O), lambda i: (i, 0)),
        out_shape=jax.ShapeDtypeStruct((B, O), jnp.float32),
        compiler_params=pltpu.CompilerParams(
            dimension_semantics=("parallel",)
        ),
    )(pooled, W1, b1.reshape(1, H), W2, b2.reshape(1, H), W3, b3.reshape(1, O))


@jax.jit
def kernel(inputs, table, W1, b1, W2, b2, W3, b3):
    B, L = inputs.shape
    V, D = table.shape
    packed = _relayout_table(table.T)
    V4 = 4 * packed.shape[0]
    table_rows = jnp.reshape(packed, (V4, D // 2))
    r = inputs.astype(jnp.int32)
    v = (
        ((r >> (_CBSH + 2)) << (_CBSH + 2))
        + ((r & (_CB - 1)) << 2)
        + ((r >> _CBSH) & 3)
    )
    idx = v.reshape(B, 2, L // 2)
    pooled = _make_pool_kernel(B, L, D, V4)(idx, table_rows)
    return _mlp(pooled, W1, b1, W2, b2, W3, b3)

# --- scband reference (transcript-rebuilt; emitter-appended) ---
"""Pipeline reference for scband-deep-cbow-88338887344712 (READ-ONLY COPY).

The authoritative reference and input builder live on the scoring server;
editing this copy changes nothing except your own understanding.
"""

import jax, jax.numpy as jnp
import numpy as np

VOCAB = 1000000
EMBED = 64
HIDDEN = 256
OUT = 5
B = 4096
L = 200

def setup_inputs(seed: int = 0) -> dict:
    key = jax.random.key(seed)
    k_idx, k_tab, k_w1, k_b1, k_w2, k_b2, k_w3, k_b3 = jax.random.split(key, 8)
    inputs = jax.random.randint(k_idx, (B, L), 0, VOCAB, dtype=jnp.int64) if jax.config.jax_enable_x64 else jax.random.randint(k_idx, (B, L), 0, VOCAB, dtype=jnp.int32)
    table = jax.random.normal(k_tab, (VOCAB, EMBED), dtype=jnp.float32) * 0.02
    W1 = jax.random.normal(k_w1, (EMBED, HIDDEN), dtype=jnp.float32) * (1.0 / np.sqrt(EMBED))
    b1 = jax.random.normal(k_b1, (HIDDEN,), dtype=jnp.float32) * 0.01
    W2 = jax.random.normal(k_w2, (HIDDEN, HIDDEN), dtype=jnp.float32) * (1.0 / np.sqrt(HIDDEN))
    b2 = jax.random.normal(k_b2, (HIDDEN,), dtype=jnp.float32) * 0.01
    W3 = jax.random.normal(k_w3, (HIDDEN, OUT), dtype=jnp.float32) * (1.0 / np.sqrt(HIDDEN))
    b3 = jax.random.normal(k_b3, (OUT,), dtype=jnp.float32) * 0.01
    return {"inputs": inputs, "table": table, "W1": W1, "b1": b1, "W2": W2, "b2": b2, "W3": W3, "b3": b3}

def reference(inputs, table, W1, b1, W2, b2, W3, b3):
    embeds = jnp.take(table, inputs, axis=0)  # [B, L, EMBED] embedding lookup
    h = jnp.sum(embeds, axis=1)               # CBOW sum over context window
    h = jax.nn.relu(h @ W1 + b1)
    h = jax.nn.relu(h @ W2 + b2)
    h = h @ W3 + b3
    return h

if __name__ == "__main__":
    import jax
    _d = setup_inputs()
    print(jax.jit(kernel)(*tuple(_d.values())))

</pallas_src>

<mosaic_0001>
#map = affine_map<(d0, d1) -> (0, 0, 0)>
#map1 = affine_map<(d0, d1) -> (0, 0)>
module attributes {stable_mosaic.version = 14 : i64} {
  func.func @pool(%arg0: i32, %arg1: i32, %arg2: memref<4096x2x100xi32, #tpu.memory_space<hbm>>, %arg3: memref<1015808x32xi32, #tpu.memory_space<hbm>>, %arg4: memref<4096x64xf32, #tpu.memory_space<hbm>>, %arg5: memref<128x2x100xi32, #tpu.memory_space<vmem>>, %arg6: memref<4x2x100x32xi32, #tpu.memory_space<vmem>>, %arg7: memref<128x64xf32, #tpu.memory_space<vmem>>, %arg8: memref<!tpu.dma_semaphore, #tpu.memory_space<semaphore_mem>>, %arg9: memref<!tpu.dma_semaphore, #tpu.memory_space<semaphore_mem>>, %arg10: memref<!tpu.dma_semaphore, #tpu.memory_space<semaphore_mem>>, %arg11: memref<!tpu.dma_semaphore, #tpu.memory_space<semaphore_mem>>) attributes {dimension_semantics = [#tpu.dimension_semantics<core_parallel>, #tpu.dimension_semantics<subcore_parallel>], iteration_bounds = array<i64: 2, 16>, scalar_prefetch = 0 : i64, scratch_operands = 7 : i64, tpu.core_type = #tpu.core_type<sc_vector_subcore>, window_params = [{transform_indices = #map}, {transform_indices = #map1}, {transform_indices = #map1}]} {
    %mul3A = arith.constant 2 : i32
    %mul3A_0 = arith.muli %arg1, %mul3A : i32
    %add3A = arith.addi %mul3A_0, %arg0 : i32
    %mul3A_1 = arith.constant 128 : i32
    %mul3A_2 = arith.muli %add3A, %mul3A_1 : i32
    "tpu.region"() ({
      %run_scoped3A = tpu.sem_alloc : memref<!tpu.dma_semaphore, #tpu.memory_space<semaphore_mem>>
      %dma_start3A_91 = arith.constant 0 : i32
      %dma_start3A_92 = arith.constant 0 : i32
      %dma_start3A_93 = tpu.memref_slice %arg2[%mul3A_2, %dma_start3A_91, %dma_start3A_92] : memref<4096x2x100xi32, #tpu.memory_space<hbm>> -> memref<128x2x100xi32, #tpu.memory_space<hbm>>
      %dma_start3A_94 = arith.constant 0 : i32
      %dma_start3A_95 = arith.constant 0 : i32
      %dma_start3A_96 = tpu.memref_slice %arg2[%mul3A_2, %dma_start3A_94, %dma_start3A_95] : memref<4096x2x100xi32, #tpu.memory_space<hbm>> -> memref<128x2x100xi32, #tpu.memory_space<hbm>>
      tpu.enqueue_dma source(%dma_start3A_96 : memref<128x2x100xi32, #tpu.memory_space<hbm>>) target(%arg5 : memref<128x2x100xi32, #tpu.memory_space<vmem>>) target_semaphore(%run_scoped3A : memref<!tpu.dma_semaphore, #tpu.memory_space<semaphore_mem>>)
      %dma_wait3A = arith.constant 0 : i32
      %dma_wait3A_97 = arith.constant 0 : i32
      %dma_wait3A_98 = tpu.memref_slice %arg2[%mul3A_2, %dma_wait3A, %dma_wait3A_97] : memref<4096x2x100xi32, #tpu.memory_space<hbm>> -> memref<128x2x100xi32, #tpu.memory_space<hbm>>
      %dma_wait3A_99 = arith.constant 0 : i32
      %dma_wait3A_100 = arith.constant 0 : i32
      %dma_wait3A_101 = tpu.memref_slice %arg2[%mul3A_2, %dma_wait3A_99, %dma_wait3A_100] : memref<4096x2x100xi32, #tpu.memory_space<hbm>> -> memref<128x2x100xi32, #tpu.memory_space<hbm>>
      tpu.wait_dma2 semaphore(%run_scoped3A : memref<!tpu.dma_semaphore, #tpu.memory_space<semaphore_mem>>) src(%dma_wait3A_101 : memref<128x2x100xi32, #tpu.memory_space<hbm>>) dst(%arg5 : memref<128x2x100xi32, #tpu.memory_space<vmem>>)
      tpu.yield
    }) : () -> ()
    %dma_start3A = arith.constant 0 : i32
    %dma_start3A_3 = arith.constant 0 : i32
    %dma_start3A_4 = arith.constant 0 : i32
    %dma_start3A_5 = arith.constant 0 : i32
    %dma_start3A_6 = arith.constant 0 : i32
    %dma_start3A_7 = arith.constant 0 : i32
    %dma_start3A_8 = tpu.memref_slice %arg6[%dma_start3A_4, %dma_start3A_5, %dma_start3A_6, %dma_start3A_7] : memref<4x2x100x32xi32, #tpu.memory_space<vmem>> -> memref<1x1x100x32xi32, #tpu.memory_space<vmem>>
    %dma_start3A_9 = tpu.memref_squeeze %dma_start3A_8 : memref<1x1x100x32xi32, #tpu.memory_space<vmem>> -> memref<100x32xi32, #tpu.memory_space<vmem>>
    %dma_start3A_10 = arith.constant 0 : i32
    %dma_start3A_11 = tpu.memref_slice %arg5[%dma_start3A, %dma_start3A_3, %dma_start3A_10] : memref<128x2x100xi32, #tpu.memory_space<vmem>> -> memref<1x1x100xi32, #tpu.memory_space<vmem>>
    %dma_start3A_12 = tpu.memref_squeeze %dma_start3A_11 : memref<1x1x100xi32, #tpu.memory_space<vmem>> -> memref<100xi32, #tpu.memory_space<vmem>>
    %dma_start3A_13 = arith.constant 0 : i32
    %dma_start3A_14 = arith.constant 0 : i32
    %dma_start3A_15 = tpu.memref_slice %arg3[%dma_start3A_13, %dma_start3A_14] : memref<1015808x32xi32, #tpu.memory_space<hbm>> -> memref<1015808x32xi32, #tpu.memory_space<hbm>>
    tpu.enqueue_indirect_dma source(%dma_start3A_15 : memref<1015808x32xi32, #tpu.memory_space<hbm>>) target(%dma_start3A_9 : memref<100x32xi32, #tpu.memory_space<vmem>>) offsets(%dma_start3A_12 : memref<100xi32, #tpu.memory_space<vmem>>) semaphore(%arg8 : memref<!tpu.dma_semaphore, #tpu.memory_space<semaphore_mem>>)
    %dma_start3A_16 = arith.constant 0 : i32
    %dma_start3A_17 = arith.constant 1 : i32
    %dma_start3A_18 = arith.constant 0 : i32
    %dma_start3A_19 = arith.constant 1 : i32
    %dma_start3A_20 = arith.constant 0 : i32
    %dma_start3A_21 = arith.constant 0 : i32
    %dma_start3A_22 = tpu.memref_slice %arg6[%dma_start3A_18, %dma_start3A_19, %dma_start3A_20, %dma_start3A_21] : memref<4x2x100x32xi32, #tpu.memory_space<vmem>> -> memref<1x1x100x32xi32, #tpu.memory_space<vmem>>
    %dma_start3A_23 = tpu.memref_squeeze %dma_start3A_22 : memref<1x1x100x32xi32, #tpu.memory_space<vmem>> -> memref<100x32xi32, #tpu.memory_space<vmem>>
    %dma_start3A_24 = arith.constant 0 : i32
    %dma_start3A_25 = tpu.memref_slice %arg5[%dma_start3A_16, %dma_start3A_17, %dma_start3A_24] : memref<128x2x100xi32, #tpu.memory_space<vmem>> -> memref<1x1x100xi32, #tpu.memory_space<vmem>>
    %dma_start3A_26 = tpu.memref_squeeze %dma_start3A_25 : memref<1x1x100xi32, #tpu.memory_space<vmem>> -> memref<100xi32, #tpu.memory_space<vmem>>
    %dma_start3A_27 = arith.constant 0 : i32
    %dma_start3A_28 = arith.constant 0 : i32
    %dma_start3A_29 = tpu.memref_slice %arg3[%dma_start3A_27, %dma_start3A_28] : memref<1015808x32xi32, #tpu.memory_space<hbm>> -> memref<1015808x32xi32, #tpu.memory_space<hbm>>
    tpu.enqueue_indirect_dma source(%dma_start3A_29 : memref<1015808x32xi32, #tpu.memory_space<hbm>>) target(%dma_start3A_23 : memref<100x32xi32, #tpu.memory_space<vmem>>) offsets(%dma_start3A_26 : memref<100xi32, #tpu.memory_space<vmem>>) semaphore(%arg8 : memref<!tpu.dma_semaphore, #tpu.memory_space<semaphore_mem>>)
    %dma_start3A_30 = arith.constant 1 : i32
    %dma_start3A_31 = arith.constant 0 : i32
    %dma_start3A_32 = arith.constant 1 : i32
    %dma_start3A_33 = arith.constant 0 : i32
    %dma_start3A_34 = arith.constant 0 : i32
    %dma_start3A_35 = arith.constant 0 : i32
    %dma_start3A_36 = tpu.memref_slice %arg6[%dma_start3A_32, %dma_start3A_33, %dma_start3A_34, %dma_start3A_35] : memref<4x2x100x32xi32, #tpu.memory_space<vmem>> -> memref<1x1x100x32xi32, #tpu.memory_space<vmem>>
    %dma_start3A_37 = tpu.memref_squeeze %dma_start3A_36 : memref<1x1x100x32xi32, #tpu.memory_space<vmem>> -> memref<100x32xi32, #tpu.memory_space<vmem>>
    %dma_start3A_38 = arith.constant 0 : i32
    %dma_start3A_39 = tpu.memref_slice %arg5[%dma_start3A_30, %dma_start3A_31, %dma_start3A_38] : memref<128x2x100xi32, #tpu.memory_space<vmem>> -> memref<1x1x100xi32, #tpu.memory_space<vmem>>
    %dma_start3A_40 = tpu.memref_squeeze %dma_start3A_39 : memref<1x1x100xi32, #tpu.memory_space<vmem>> -> memref<100xi32, #tpu.memory_space<vmem>>
    %dma_start3A_41 = arith.constant 0 : i32
    %dma_start3A_42 = arith.constant 0 : i32
    %dma_start3A_43 = tpu.memref_slice %arg3[%dma_start3A_41, %dma_start3A_42] : memref<1015808x32xi32, #tpu.memory_space<hbm>> -> memref<1015808x32xi32, #tpu.memory_space<hbm>>
    tpu.enqueue_indirect_dma source(%dma_start3A_43 : memref<1015808x32xi32, #tpu.memory_space<hbm>>) target(%dma_start3A_37 : memref<100x32xi32, #tpu.memory_space<vmem>>) offsets(%dma_start3A_40 : memref<100xi32, #tpu.memory_space<vmem>>) semaphore(%arg9 : memref<!tpu.dma_semaphore, #tpu.memory_space<semaphore_mem>>)
    %dma_start3A_44 = arith.constant 1 : i32
    %dma_start3A_45 = arith.constant 1 : i32
    %dma_start3A_46 = arith.constant 1 : i32
    %dma_start3A_47 = arith.constant 1 : i32
    %dma_start3A_48 = arith.constant 0 : i32
    %dma_start3A_49 = arith.constant 0 : i32
    %dma_start3A_50 = tpu.memref_slice %arg6[%dma_start3A_46, %dma_start3A_47, %dma_start3A_48, %dma_start3A_49] : memref<4x2x100x32xi32, #tpu.memory_space<vmem>> -> memref<1x1x100x32xi32, #tpu.memory_space<vmem>>
    %dma_start3A_51 = tpu.memref_squeeze %dma_start3A_50 : memref<1x1x100x32xi32, #tpu.memory_space<vmem>> -> memref<100x32xi32, #tpu.memory_space<vmem>>
    %dma_start3A_52 = arith.constant 0 : i32
    %dma_start3A_53 = tpu.memref_slice %arg5[%dma_start3A_44, %dma_start3A_45, %dma_start3A_52] : memref<128x2x100xi32, #tpu.memory_space<vmem>> -> memref<1x1x100xi32, #tpu.memory_space<vmem>>
    %dma_start3A_54 = tpu.memref_squeeze %dma_start3A_53 : memref<1x1x100xi32, #tpu.memory_space<vmem>> -> memref<100xi32, #tpu.memory_space<vmem>>
    %dma_start3A_55 = arith.constant 0 : i32
    %dma_start3A_56 = arith.constant 0 : i32
    %dma_start3A_57 = tpu.memref_slice %arg3[%dma_start3A_55, %dma_start3A_56] : memref<1015808x32xi32, #tpu.memory_space<hbm>> -> memref<1015808x32xi32, #tpu.memory_space<hbm>>
    tpu.enqueue_indirect_dma source(%dma_start3A_57 : memref<1015808x32xi32, #tpu.memory_space<hbm>>) target(%dma_start3A_51 : memref<100x32xi32, #tpu.memory_space<vmem>>) offsets(%dma_start3A_54 : memref<100xi32, #tpu.memory_space<vmem>>) semaphore(%arg9 : memref<!tpu.dma_semaphore, #tpu.memory_space<semaphore_mem>>)
    %dma_start3A_58 = arith.constant 2 : i32
    %dma_start3A_59 = arith.constant 0 : i32
    %dma_start3A_60 = arith.constant 2 : i32
    %dma_start3A_61 = arith.constant 0 : i32
    %dma_start3A_62 = arith.constant 0 : i32
    %dma_start3A_63 = arith.constant 0 : i32
    %dma_start3A_64 = tpu.memref_slice %arg6[%dma_start3A_60, %dma_start3A_61, %dma_start3A_62, %dma_start3A_63] : memref<4x2x100x32xi32, #tpu.memory_space<vmem>> -> memref<1x1x100x32xi32, #tpu.memory_space<vmem>>
    %dma_start3A_65 = tpu.memref_squeeze %dma_start3A_64 : memref<1x1x100x32xi32, #tpu.memory_space<vmem>> -> memref<100x32xi32, #tpu.memory_space<vmem>>
    %dma_start3A_66 = arith.constant 0 : i32
    %dma_start3A_67 = tpu.memref_slice %arg5[%dma_start3A_58, %dma_start3A_59, %dma_start3A_66] : memref<128x2x100xi32, #tpu.memory_space<vmem>> -> memref<1x1x100xi32, #tpu.memory_space<vmem>>
    %dma_start3A_68 = tpu.memref_squeeze %dma_start3A_67 : memref<1x1x100xi32, #tpu.memory_space<vmem>> -> memref<100xi32, #tpu.memory_space<vmem>>
    %dma_start3A_69 = arith.constant 0 : i32
    %dma_start3A_70 = arith.constant 0 : i32
    %dma_start3A_71 = tpu.memref_slice %arg3[%dma_start3A_69, %dma_start3A_70] : memref<1015808x32xi32, #tpu.memory_space<hbm>> -> memref<1015808x32xi32, #tpu.memory_space<hbm>>
    tpu.enqueue_indirect_dma source(%dma_start3A_71 : memref<1015808x32xi32, #tpu.memory_space<hbm>>) target(%dma_start3A_65 : memref<100x32xi32, #tpu.memory_space<vmem>>) offsets(%dma_start3A_68 : memref<100xi32, #tpu.memory_space<vmem>>) semaphore(%arg10 : memref<!tpu.dma_semaphore, #tpu.memory_space<semaphore_mem>>)
    %dma_start3A_72 = arith.constant 2 : i32
    %dma_start3A_73 = arith.constant 1 : i32
    %dma_start3A_74 = arith.constant 2 : i32
    %dma_start3A_75 = arith.constant 1 : i32
    %dma_start3A_76 = arith.constant 0 : i32
    %dma_start3A_77 = arith.constant 0 : i32
    %dma_start3A_78 = tpu.memref_slice %arg6[%dma_start3A_74, %dma_start3A_75, %dma_start3A_76, %dma_start3A_77] : memref<4x2x100x32xi32, #tpu.memory_space<vmem>> -> memref<1x1x100x32xi32, #tpu.memory_space<vmem>>
    %dma_start3A_79 = tpu.memref_squeeze %dma_start3A_78 : memref<1x1x100x32xi32, #tpu.memory_space<vmem>> -> memref<100x32xi32, #tpu.memory_space<vmem>>
    %dma_start3A_80 = arith.constant 0 : i32
    %dma_start3A_81 = tpu.memref_slice %arg5[%dma_start3A_72, %dma_start3A_73, %dma_start3A_80] : memref<128x2x100xi32, #tpu.memory_space<vmem>> -> memref<1x1x100xi32, #tpu.memory_space<vmem>>
    %dma_start3A_82 = tpu.memref_squeeze %dma_start3A_81 : memref<1x1x100xi32, #tpu.memory_space<vmem>> -> memref<100xi32, #tpu.memory_space<vmem>>
    %dma_start3A_83 = arith.constant 0 : i32
    %dma_start3A_84 = arith.constant 0 : i32
    %dma_start3A_85 = tpu.memref_slice %arg3[%dma_start3A_83, %dma_start3A_84] : memref<1015808x32xi32, #tpu.memory_space<hbm>> -> memref<1015808x32xi32, #tpu.memory_space<hbm>>
    tpu.enqueue_indirect_dma source(%dma_start3A_85 : memref<1015808x32xi32, #tpu.memory_space<hbm>>) target(%dma_start3A_79 : memref<100x32xi32, #tpu.memory_space<vmem>>) offsets(%dma_start3A_82 : memref<100xi32, #tpu.memory_space<vmem>>) semaphore(%arg10 : memref<!tpu.dma_semaphore, #tpu.memory_space<semaphore_mem>>)
    %scan3A = arith.constant 0 : i32
    %scan3A_86 = arith.constant 0 : i32
    %scan3A_87 = arith.constant 32 : i32
    %scan3A_88 = arith.addi %scan3A_86, %scan3A_87 : i32
    %scan3A_89 = arith.constant 1 : i32
    scf.for %scan3A_91 = %scan3A_86 to %scan3A_88 step %scan3A_89  : i32 {
      %mul3A_92 = arith.constant 4 : i32
      %mul3A_93 = arith.muli %mul3A_92, %scan3A_91 : i32
      %add3A_94 = arith.constant 0 : i32
      %add3A_95 = arith.addi %mul3A_93, %add3A_94 : i32
      %dma_wait3A = arith.constant 0 : i32
      %dma_wait3A_96 = arith.constant 0 : i32
      %dma_wait3A_97 = arith.constant 0 : i32
      %dma_wait3A_98 = arith.constant 0 : i32
      %dma_wait3A_99 = arith.constant 0 : i32
      %dma_wait3A_100 = tpu.memref_slice %arg6[%dma_wait3A_96, %dma_wait3A_97, %dma_wait3A_98, %dma_wait3A_99] : memref<4x2x100x32xi32, #tpu.memory_space<vmem>> -> memref<1x1x100x32xi32, #tpu.memory_space<vmem>>
      %dma_wait3A_101 = tpu.memref_squeeze %dma_wait3A_100 : memref<1x1x100x32xi32, #tpu.memory_space<vmem>> -> memref<100x32xi32, #tpu.memory_space<vmem>>
      %dma_wait3A_102 = arith.constant 0 : i32
      %dma_wait3A_103 = tpu.memref_slice %arg5[%add3A_95, %dma_wait3A, %dma_wait3A_102] : memref<128x2x100xi32, #tpu.memory_space<vmem>> -> memref<1x1x100xi32, #tpu.memory_space<vmem>>
      %dma_wait3A_104 = tpu.memref_squeeze %dma_wait3A_103 : memref<1x1x100xi32, #tpu.memory_space<vmem>> -> memref<100xi32, #tpu.memory_space<vmem>>
      %dma_wait3A_105 = arith.constant 0 : i32
      %dma_wait3A_106 = arith.constant 0 : i32
      %dma_wait3A_107 = tpu.memref_slice %arg3[%dma_wait3A_105, %dma_wait3A_106] : memref<1015808x32xi32, #tpu.memory_space<hbm>> -> memref<1015808x32xi32, #tpu.memory_space<hbm>>
      tpu.wait_indirect_dma semaphore(%arg8 : memref<!tpu.dma_semaphore, #tpu.memory_space<semaphore_mem>>) src(%dma_wait3A_107 : memref<1015808x32xi32, #tpu.memory_space<hbm>>) dst(%dma_wait3A_101 : memref<100x32xi32, #tpu.memory_space<vmem>>)
      %dma_wait3A_108 = arith.constant 1 : i32
      %dma_wait3A_109 = arith.constant 0 : i32
      %dma_wait3A_110 = arith.constant 1 : i32
      %dma_wait3A_111 = arith.constant 0 : i32
      %dma_wait3A_112 = arith.constant 0 : i32
      %dma_wait3A_113 = tpu.memref_slice %arg6[%dma_wait3A_109, %dma_wait3A_110, %dma_wait3A_111, %dma_wait3A_112] : memref<4x2x100x32xi32, #tpu.memory_space<vmem>> -> memref<1x1x100x32xi32, #tpu.memory_space<vmem>>
      %dma_wait3A_114 = tpu.memref_squeeze %dma_wait3A_113 : memref<1x1x100x32xi32, #tpu.memory_space<vmem>> -> memref<100x32xi32, #tpu.memory_space<vmem>>
      %dma_wait3A_115 = arith.constant 0 : i32
      %dma_wait3A_116 = tpu.memref_slice %arg5[%add3A_95, %dma_wait3A_108, %dma_wait3A_115] : memref<128x2x100xi32, #tpu.memory_space<vmem>> -> memref<1x1x100xi32, #tpu.memory_space<vmem>>
      %dma_wait3A_117 = tpu.memref_squeeze %dma_wait3A_116 : memref<1x1x100xi32, #tpu.memory_space<vmem>> -> memref<100xi32, #tpu.memory_space<vmem>>
      %dma_wait3A_118 = arith.constant 0 : i32
      %dma_wait3A_119 = arith.constant 0 : i32
      %dma_wait3A_120 = tpu.memref_slice %arg3[%dma_wait3A_118, %dma_wait3A_119] : memref<1015808x32xi32, #tpu.memory_space<hbm>> -> memref<1015808x32xi32, #tpu.memory_space<hbm>>
      tpu.wait_indirect_dma semaphore(%arg8 : memref<!tpu.dma_semaphore, #tpu.memory_space<semaphore_mem>>) src(%dma_wait3A_120 : memref<1015808x32xi32, #tpu.memory_space<hbm>>) dst(%dma_wait3A_114 : memref<100x32xi32, #tpu.memory_space<vmem>>)
      %add3A_121 = arith.constant 3 : i32
      %add3A_122 = arith.addi %add3A_95, %add3A_121 : i32
      %lt3A = arith.constant 128 : i32
      %lt3A_123 = arith.cmpi slt, %add3A_122, %lt3A : i32
      %convert_element_type3A = arith.extui %lt3A_123 : i1 to i32
      %cond3A = arith.constant 0 : i32
      %cond3A_124 = arith.cmpi ne, %convert_element_type3A, %cond3A : i32
      scf.if %cond3A_124 {
        %dma_start3A_372 = arith.constant 0 : i32
        %dma_start3A_373 = arith.constant 3 : i32
        %dma_start3A_374 = arith.constant 0 : i32
        %dma_start3A_375 = arith.constant 0 : i32
        %dma_start3A_376 = arith.constant 0 : i32
        %dma_start3A_377 = tpu.memref_slice %arg6[%dma_start3A_373, %dma_start3A_374, %dma_start3A_375, %dma_start3A_376] : memref<4x2x100x32xi32, #tpu.memory_space<vmem>> -> memref<1x1x100x32xi32, #tpu.memory_space<vmem>>
        %dma_start3A_378 = tpu.memref_squeeze %dma_start3A_377 : memref<1x1x100x32xi32, #tpu.memory_space<vmem>> -> memref<100x32xi32, #tpu.memory_space<vmem>>
        %dma_start3A_379 = arith.constant 0 : i32
        %dma_start3A_380 = tpu.memref_slice %arg5[%add3A_122, %dma_start3A_372, %dma_start3A_379] : memref<128x2x100xi32, #tpu.memory_space<vmem>> -> memref<1x1x100xi32, #tpu.memory_space<vmem>>
        %dma_start3A_381 = tpu.memref_squeeze %dma_start3A_380 : memref<1x1x100xi32, #tpu.memory_space<vmem>> -> memref<100xi32, #tpu.memory_space<vmem>>
        %dma_start3A_382 = arith.constant 0 : i32
        %dma_start3A_383 = arith.constant 0 : i32
        %dma_start3A_384 = tpu.memref_slice %arg3[%dma_start3A_382, %dma_start3A_383] : memref<1015808x32xi32, #tpu.memory_space<hbm>> -> memref<1015808x32xi32, #tpu.memory_space<hbm>>
        tpu.enqueue_indirect_dma source(%dma_start3A_384 : memref<1015808x32xi32, #tpu.memory_space<hbm>>) target(%dma_start3A_378 : memref<100x32xi32, #tpu.memory_space<vmem>>) offsets(%dma_start3A_381 : memref<100xi32, #tpu.memory_space<vmem>>) semaphore(%arg11 : memref<!tpu.dma_semaphore, #tpu.memory_space<semaphore_mem>>)
        %dma_start3A_385 = arith.constant 1 : i32
        %dma_start3A_386 = arith.constant 3 : i32
        %dma_start3A_387 = arith.constant 1 : i32
        %dma_start3A_388 = arith.constant 0 : i32
        %dma_start3A_389 = arith.constant 0 : i32
        %dma_start3A_390 = tpu.memref_slice %arg6[%dma_start3A_386, %dma_start3A_387, %dma_start3A_388, %dma_start3A_389] : memref<4x2x100x32xi32, #tpu.memory_space<vmem>> -> memref<1x1x100x32xi32, #tpu.memory_space<vmem>>
        %dma_start3A_391 = tpu.memref_squeeze %dma_start3A_390 : memref<1x1x100x32xi32, #tpu.memory_space<vmem>> -> memref<100x32xi32, #tpu.memory_space<vmem>>
        %dma_start3A_392 = arith.constant 0 : i32
        %dma_start3A_393 = tpu.memref_slice %arg5[%add3A_122, %dma_start3A_385, %dma_start3A_392] : memref<128x2x100xi32, #tpu.memory_space<vmem>> -> memref<1x1x100xi32, #tpu.memory_space<vmem>>
        %dma_start3A_394 = tpu.memref_squeeze %dma_start3A_393 : memref<1x1x100xi32, #tpu.memory_space<vmem>> -> memref<100xi32, #tpu.memory_space<vmem>>
        %dma_start3A_395 = arith.constant 0 : i32
        %dma_start3A_396 = arith.constant 0 : i32
        %dma_start3A_397 = tpu.memref_slice %arg3[%dma_start3A_395, %dma_start3A_396] : memref<1015808x32xi32, #tpu.memory_space<hbm>> -> memref<1015808x32xi32, #tpu.memory_space<hbm>>
        tpu.enqueue_indirect_dma source(%dma_start3A_397 : memref<1015808x32xi32, #tpu.memory_space<hbm>>) target(%dma_start3A_391 : memref<100x32xi32, #tpu.memory_space<vmem>>) offsets(%dma_start3A_394 : memref<100xi32, #tpu.memory_space<vmem>>) semaphore(%arg11 : memref<!tpu.dma_semaphore, #tpu.memory_space<semaphore_mem>>)
      } else {
      }
      %broadcast_in_dim3A = arith.constant -65536 : i32
      %broadcast_in_dim3A_125 = vector.broadcast %broadcast_in_dim3A : i32 to vector<16xi32>
      %broadcast_in_dim3A_126 = arith.constant 0.000000e+00 : f32
      %broadcast_in_dim3A_127 = vector.broadcast %broadcast_in_dim3A_126 : f32 to vector<16xf32>
      %broadcast_in_dim3A_128 = arith.constant 0.000000e+00 : f32
      %broadcast_in_dim3A_129 = vector.broadcast %broadcast_in_dim3A_128 : f32 to vector<16xf32>
      %broadcast_in_dim3A_130 = arith.constant 0.000000e+00 : f32
      %broadcast_in_dim3A_131 = vector.broadcast %broadcast_in_dim3A_130 : f32 to vector<16xf32>
      %broadcast_in_dim3A_132 = arith.constant 0.000000e+00 : f32
      %broadcast_in_dim3A_133 = vector.broadcast %broadcast_in_dim3A_132 : f32 to vector<16xf32>
      %scan3A_134 = arith.constant 0 : i32
      %scan3A_135 = arith.constant 100 : i32
      %scan3A_136 = arith.addi %scan3A_134, %scan3A_135 : i32
      %scan3A_137 = arith.constant 1 : i32
      %scan3A_138:4 = scf.for %scan3A_372 = %scan3A_134 to %scan3A_136 step %scan3A_137 iter_args(%scan3A_373 = %broadcast_in_dim3A_127, %scan3A_374 = %broadcast_in_dim3A_129, %scan3A_375 = %broadcast_in_dim3A_131, %scan3A_376 = %broadcast_in_dim3A_133) -> (vector<16xf32>, vector<16xf32>, vector<16xf32>, vector<16xf32>)  : i32 {
        %get3A = arith.constant 0 : i32
        %get3A_377 = arith.constant 0 : i32
        %get3A_378 = arith.index_cast %get3A : i32 to index
        %get3A_379 = arith.index_cast %get3A_377 : i32 to index
        %get3A_380 = arith.index_cast %scan3A_372 : i32 to index
        %get3A_381 = arith.constant 0 : index
        %get3A_382 = tpu.vector_load %arg6[%get3A_378, %get3A_379, %get3A_380, %get3A_381] {strides = array<i32>} : memref<4x2x100x32xi32, #tpu.memory_space<vmem>>, vector<1x1x1x16xi32>,
        %get3A_383 = vector.shape_cast %get3A_382 : vector<1x1x1x16xi32> to vector<16xi32>
        %shift_left3A = arith.constant 16 : i32
        %shift_left3A_384 = vector.broadcast %shift_left3A : i32 to vector<16xi32>
        %shift_left3A_385 = arith.shli %get3A_383, %shift_left3A_384 : vector<16xi32>
        %bitcast_convert_type3A = tpu.bitcast %shift_left3A_385 : vector<16xi32> -> vector<16xf32>
        %and3A = arith.andi %get3A_383, %broadcast_in_dim3A_125 : vector<16xi32>
        %bitcast_convert_type3A_386 = tpu.bitcast %and3A : vector<16xi32> -> vector<16xf32>
        %add3A_387 = arith.addf %scan3A_373, %bitcast_convert_type3A : vector<16xf32>
        %add3A_388 = arith.addf %scan3A_375, %bitcast_convert_type3A_386 : vector<16xf32>
        %get3A_389 = arith.constant 0 : i32
        %get3A_390 = arith.constant 1 : i32
        %get3A_391 = arith.index_cast %get3A_389 : i32 to index
        %get3A_392 = arith.index_cast %get3A_390 : i32 to index
        %get3A_393 = arith.index_cast %scan3A_372 : i32 to index
        %get3A_394 = arith.constant 0 : index
        %get3A_395 = tpu.vector_load %arg6[%get3A_391, %get3A_392, %get3A_393, %get3A_394] {strides = array<i32>} : memref<4x2x100x32xi32, #tpu.memory_space<vmem>>, vector<1x1x1x16xi32>,
        %get3A_396 = vector.shape_cast %get3A_395 : vector<1x1x1x16xi32> to vector<16xi32>
        %shift_left3A_397 = arith.constant 16 : i32
        %shift_left3A_398 = vector.broadcast %shift_left3A_397 : i32 to vector<16xi32>
        %shift_left3A_399 = arith.shli %get3A_396, %shift_left3A_398 : vector<16xi32>
        %bitcast_convert_type3A_400 = tpu.bitcast %shift_left3A_399 : vector<16xi32> -> vector<16xf32>
        %and3A_401 = arith.andi %get3A_396, %broadcast_in_dim3A_125 : vector<16xi32>
        %bitcast_convert_type3A_402 = tpu.bitcast %and3A_401 : vector<16xi32> -> vector<16xf32>
        %add3A_403 = arith.addf %add3A_387, %bitcast_convert_type3A_400 : vector<16xf32>
        %add3A_404 = arith.addf %add3A_388, %bitcast_convert_type3A_402 : vector<16xf32>
        %get3A_405 = arith.constant 0 : i32
        %get3A_406 = arith.constant 0 : i32
        %get3A_407 = arith.index_cast %get3A_405 : i32 to index
        %get3A_408 = arith.index_cast %get3A_406 : i32 to index
        %get3A_409 = arith.index_cast %scan3A_372 : i32 to index
        %get3A_410 = arith.constant 16 : index
        %get3A_411 = tpu.vector_load %arg6[%get3A_407, %get3A_408, %get3A_409, %get3A_410] {strides = array<i32>} : memref<4x2x100x32xi32, #tpu.memory_space<vmem>>, vector<1x1x1x16xi32>,
        %get3A_412 = vector.shape_cast %get3A_411 : vector<1x1x1x16xi32> to vector<16xi32>
        %shift_left3A_413 = arith.constant 16 : i32
        %shift_left3A_414 = vector.broadcast %shift_left3A_413 : i32 to vector<16xi32>
        %shift_left3A_415 = arith.shli %get3A_412, %shift_left3A_414 : vector<16xi32>
        %bitcast_convert_type3A_416 = tpu.bitcast %shift_left3A_415 : vector<16xi32> -> vector<16xf32>
        %and3A_417 = arith.andi %get3A_412, %broadcast_in_dim3A_125 : vector<16xi32>
        %bitcast_convert_type3A_418 = tpu.bitcast %and3A_417 : vector<16xi32> -> vector<16xf32>
        %add3A_419 = arith.addf %scan3A_374, %bitcast_convert_type3A_416 : vector<16xf32>
        %add3A_420 = arith.addf %scan3A_376, %bitcast_convert_type3A_418 : vector<16xf32>
        %get3A_421 = arith.constant 0 : i32
        %get3A_422 = arith.constant 1 : i32
        %get3A_423 = arith.index_cast %get3A_421 : i32 to index
        %get3A_424 = arith.index_cast %get3A_422 : i32 to index
        %get3A_425 = arith.index_cast %scan3A_372 : i32 to index
        %get3A_426 = arith.constant 16 : index
        %get3A_427 = tpu.vector_load %arg6[%get3A_423, %get3A_424, %get3A_425, %get3A_426] {strides = array<i32>} : memref<4x2x100x32xi32, #tpu.memory_space<vmem>>, vector<1x1x1x16xi32>,
        %get3A_428 = vector.shape_cast %get3A_427 : vector<1x1x1x16xi32> to vector<16xi32>
        %shift_left3A_429 = arith.constant 16 : i32
        %shift_left3A_430 = vector.broadcast %shift_left3A_429 : i32 to vector<16xi32>
        %shift_left3A_431 = arith.shli %get3A_428, %shift_left3A_430 : vector<16xi32>
        %bitcast_convert_type3A_432 = tpu.bitcast %shift_left3A_431 : vector<16xi32> -> vector<16xf32>
        %and3A_433 = arith.andi %get3A_428, %broadcast_in_dim3A_125 : vector<16xi32>
        %bitcast_convert_type3A_434 = tpu.bitcast %and3A_433 : vector<16xi32> -> vector<16xf32>
        %add3A_435 = arith.addf %add3A_419, %bitcast_convert_type3A_432 : vector<16xf32>
        %add3A_436 = arith.addf %add3A_420, %bitcast_convert_type3A_434 : vector<16xf32>
        scf.yield %add3A_403, %add3A_435, %add3A_404, %add3A_436 : vector<16xf32>, vector<16xf32>, vector<16xf32>, vector<16xf32>
      }
      %scan3A_139 = arith.constant 100 : i32
      %swap3A = arith.index_cast %add3A_95 : i32 to index
      %swap3A_140 = arith.constant 0 : index
      %swap3A_141 = tpu.vector_load %arg7[%swap3A, %swap3A_140] {strides = array<i32>} : memref<128x64xf32, #tpu.memory_space<vmem>>, vector<1x16xf32>,
      %swap3A_142 = vector.shape_cast %swap3A_141 : vector<1x16xf32> to vector<16xf32>
      %swap3A_143 = vector.shape_cast %scan3A_138#0 : vector<16xf32> to vector<1x16xf32>
      tpu.vector_store %arg7[%swap3A, %swap3A_140], %swap3A_143 {strides = array<i32>} : memref<128x64xf32, #tpu.memory_space<vmem>>, vector<1x16xf32>,
      %swap3A_144 = arith.index_cast %add3A_95 : i32 to index
      %swap3A_145 = arith.constant 16 : index
      %swap3A_146 = tpu.vector_load %arg7[%swap3A_144, %swap3A_145] {strides = array<i32>} : memref<128x64xf32, #tpu.memory_space<vmem>>, vector<1x16xf32>,
      %swap3A_147 = vector.shape_cast %swap3A_146 : vector<1x16xf32> to vector<16xf32>
      %swap3A_148 = vector.shape_cast %scan3A_138#1 : vector<16xf32> to vector<1x16xf32>
      tpu.vector_store %arg7[%swap3A_144, %swap3A_145], %swap3A_148 {strides = array<i32>} : memref<128x64xf32, #tpu.memory_space<vmem>>, vector<1x16xf32>,
      %swap3A_149 = arith.index_cast %add3A_95 : i32 to index
      %swap3A_150 = arith.constant 32 : index
      %swap3A_151 = tpu.vector_load %arg7[%swap3A_149, %swap3A_150] {strides = array<i32>} : memref<128x64xf32, #tpu.memory_space<vmem>>, vector<1x16xf32>,
      %swap3A_152 = vector.shape_cast %swap3A_151 : vector<1x16xf32> to vector<16xf32>
      %swap3A_153 = vector.shape_cast %scan3A_138#2 : vector<16xf32> to vector<1x16xf32>
      tpu.vector_store %arg7[%swap3A_149, %swap3A_150], %swap3A_153 {strides = array<i32>} : memref<128x64xf32, #tpu.memory_space<vmem>>, vector<1x16xf32>,
      %swap3A_154 = arith.index_cast %add3A_95 : i32 to index
      %swap3A_155 = arith.constant 48 : index
      %swap3A_156 = tpu.vector_load %arg7[%swap3A_154, %swap3A_155] {strides = array<i32>} : memref<128x64xf32, #tpu.memory_space<vmem>>, vector<1x16xf32>,
      %swap3A_157 = vector.shape_cast %swap3A_156 : vector<1x16xf32> to vector<16xf32>
      %swap3A_158 = vector.shape_cast %scan3A_138#3 : vector<16xf32> to vector<1x16xf32>
      tpu.vector_store %arg7[%swap3A_154, %swap3A_155], %swap3A_158 {strides = array<i32>} : memref<128x64xf32, #tpu.memory_space<vmem>>, vector<1x16xf32>,
      %add3A_159 = arith.constant 1 : i32
      %add3A_160 = arith.addi %mul3A_93, %add3A_159 : i32
      %dma_wait3A_161 = arith.constant 0 : i32
      %dma_wait3A_162 = arith.constant 1 : i32
      %dma_wait3A_163 = arith.constant 0 : i32
      %dma_wait3A_164 = arith.constant 0 : i32
      %dma_wait3A_165 = arith.constant 0 : i32
      %dma_wait3A_166 = tpu.memref_slice %arg6[%dma_wait3A_162, %dma_wait3A_163, %dma_wait3A_164, %dma_wait3A_165] : memref<4x2x100x32xi32, #tpu.memory_space<vmem>> -> memref<1x1x100x32xi32, #tpu.memory_space<vmem>>
      %dma_wait3A_167 = tpu.memref_squeeze %dma_wait3A_166 : memref<1x1x100x32xi32, #tpu.memory_space<vmem>> -> memref<100x32xi32, #tpu.memory_space<vmem>>
      %dma_wait3A_168 = arith.constant 0 : i32
      %dma_wait3A_169 = tpu.memref_slice %arg5[%add3A_160, %dma_wait3A_161, %dma_wait3A_168] : memref<128x2x100xi32, #tpu.memory_space<vmem>> -> memref<1x1x100xi32, #tpu.memory_space<vmem>>
      %dma_wait3A_170 = tpu.memref_squeeze %dma_wait3A_169 : memref<1x1x100xi32, #tpu.memory_space<vmem>> -> memref<100xi32, #tpu.memory_space<vmem>>
      %dma_wait3A_171 = arith.constant 0 : i32
      %dma_wait3A_172 = arith.constant 0 : i32
      %dma_wait3A_173 = tpu.memref_slice %arg3[%dma_wait3A_171, %dma_wait3A_172] : memref<1015808x32xi32, #tpu.memory_space<hbm>> -> memref<1015808x32xi32, #tpu.memory_space<hbm>>
      tpu.wait_indirect_dma semaphore(%arg9 : memref<!tpu.dma_semaphore, #tpu.memory_space<semaphore_mem>>) src(%dma_wait3A_173 : memref<1015808x32xi32, #tpu.memory_space<hbm>>) dst(%dma_wait3A_167 : memref<100x32xi32, #tpu.memory_space<vmem>>)
      %dma_wait3A_174 = arith.constant 1 : i32
      %dma_wait3A_175 = arith.constant 1 : i32
      %dma_wait3A_176 = arith.constant 1 : i32
      %dma_wait3A_177 = arith.constant 0 : i32
      %dma_wait3A_178 = arith.constant 0 : i32
      %dma_wait3A_179 = tpu.memref_slice %arg6[%dma_wait3A_175, %dma_wait3A_176, %dma_wait3A_177, %dma_wait3A_178] : memref<4x2x100x32xi32, #tpu.memory_space<vmem>> -> memref<1x1x100x32xi32, #tpu.memory_space<vmem>>
      %dma_wait3A_180 = tpu.memref_squeeze %dma_wait3A_179 : memref<1x1x100x32xi32, #tpu.memory_space<vmem>> -> memref<100x32xi32, #tpu.memory_space<vmem>>
      %dma_wait3A_181 = arith.constant 0 : i32
      %dma_wait3A_182 = tpu.memref_slice %arg5[%add3A_160, %dma_wait3A_174, %dma_wait3A_181] : memref<128x2x100xi32, #tpu.memory_space<vmem>> -> memref<1x1x100xi32, #tpu.memory_space<vmem>>
      %dma_wait3A_183 = tpu.memref_squeeze %dma_wait3A_182 : memref<1x1x100xi32, #tpu.memory_space<vmem>> -> memref<100xi32, #tpu.memory_space<vmem>>
      %dma_wait3A_184 = arith.constant 0 : i32
      %dma_wait3A_185 = arith.constant 0 : i32
      %dma_wait3A_186 = tpu.memref_slice %arg3[%dma_wait3A_184, %dma_wait3A_185] : memref<1015808x32xi32, #tpu.memory_space<hbm>> -> memref<1015808x32xi32, #tpu.memory_space<hbm>>
      tpu.wait_indirect_dma semaphore(%arg9 : memref<!tpu.dma_semaphore, #tpu.memory_space<semaphore_mem>>) src(%dma_wait3A_186 : memref<1015808x32xi32, #tpu.memory_space<hbm>>) dst(%dma_wait3A_180 : memref<100x32xi32, #tpu.memory_space<vmem>>)
      %add3A_187 = arith.constant 3 : i32
      %add3A_188 = arith.addi %add3A_160, %add3A_187 : i32
      %lt3A_189 = arith.constant 128 : i32
      %lt3A_190 = arith.cmpi slt, %add3A_188, %lt3A_189 : i32
      %convert_element_type3A_191 = arith.extui %lt3A_190 : i1 to i32
      %cond3A_192 = arith.constant 0 : i32
      %cond3A_193 = arith.cmpi ne, %convert_element_type3A_191, %cond3A_192 : i32
      scf.if %cond3A_193 {
        %dma_start3A_372 = arith.constant 0 : i32
        %dma_start3A_373 = arith.constant 0 : i32
        %dma_start3A_374 = arith.constant 0 : i32
        %dma_start3A_375 = arith.constant 0 : i32
        %dma_start3A_376 = arith.constant 0 : i32
        %dma_start3A_377 = tpu.memref_slice %arg6[%dma_start3A_373, %dma_start3A_374, %dma_start3A_375, %dma_start3A_376] : memref<4x2x100x32xi32, #tpu.memory_space<vmem>> -> memref<1x1x100x32xi32, #tpu.memory_space<vmem>>
        %dma_start3A_378 = tpu.memref_squeeze %dma_start3A_377 : memref<1x1x100x32xi32, #tpu.memory_space<vmem>> -> memref<100x32xi32, #tpu.memory_space<vmem>>
        %dma_start3A_379 = arith.constant 0 : i32
        %dma_start3A_380 = tpu.memref_slice %arg5[%add3A_188, %dma_start3A_372, %dma_start3A_379] : memref<128x2x100xi32, #tpu.memory_space<vmem>> -> memref<1x1x100xi32, #tpu.memory_space<vmem>>
        %dma_start3A_381 = tpu.memref_squeeze %dma_start3A_380 : memref<1x1x100xi32, #tpu.memory_space<vmem>> -> memref<100xi32, #tpu.memory_space<vmem>>
        %dma_start3A_382 = arith.constant 0 : i32
        %dma_start3A_383 = arith.constant 0 : i32
        %dma_start3A_384 = tpu.memref_slice %arg3[%dma_start3A_382, %dma_start3A_383] : memref<1015808x32xi32, #tpu.memory_space<hbm>> -> memref<1015808x32xi32, #tpu.memory_space<hbm>>
        tpu.enqueue_indirect_dma source(%dma_start3A_384 : memref<1015808x32xi32, #tpu.memory_space<hbm>>) target(%dma_start3A_378 : memref<100x32xi32, #tpu.memory_space<vmem>>) offsets(%dma_start3A_381 : memref<100xi32, #tpu.memory_space<vmem>>) semaphore(%arg8 : memref<!tpu.dma_semaphore, #tpu.memory_space<semaphore_mem>>)
        %dma_start3A_385 = arith.constant 1 : i32
        %dma_start3A_386 = arith.constant 0 : i32
        %dma_start3A_387 = arith.constant 1 : i32
        %dma_start3A_388 = arith.constant 0 : i32
        %dma_start3A_389 = arith.constant 0 : i32
        %dma_start3A_390 = tpu.memref_slice %arg6[%dma_start3A_386, %dma_start3A_387, %dma_start3A_388, %dma_start3A_389] : memref<4x2x100x32xi32, #tpu.memory_space<vmem>> -> memref<1x1x100x32xi32, #tpu.memory_space<vmem>>
        %dma_start3A_391 = tpu.memref_squeeze %dma_start3A_390 : memref<1x1x100x32xi32, #tpu.memory_space<vmem>> -> memref<100x32xi32, #tpu.memory_space<vmem>>
        %dma_start3A_392 = arith.constant 0 : i32
        %dma_start3A_393 = tpu.memref_slice %arg5[%add3A_188, %dma_start3A_385, %dma_start3A_392] : memref<128x2x100xi32, #tpu.memory_space<vmem>> -> memref<1x1x100xi32, #tpu.memory_space<vmem>>
        %dma_start3A_394 = tpu.memref_squeeze %dma_start3A_393 : memref<1x1x100xi32, #tpu.memory_space<vmem>> -> memref<100xi32, #tpu.memory_space<vmem>>
        %dma_start3A_395 = arith.constant 0 : i32
        %dma_start3A_396 = arith.constant 0 : i32
        %dma_start3A_397 = tpu.memref_slice %arg3[%dma_start3A_395, %dma_start3A_396] : memref<1015808x32xi32, #tpu.memory_space<hbm>> -> memref<1015808x32xi32, #tpu.memory_space<hbm>>
        tpu.enqueue_indirect_dma source(%dma_start3A_397 : memref<1015808x32xi32, #tpu.memory_space<hbm>>) target(%dma_start3A_391 : memref<100x32xi32, #tpu.memory_space<vmem>>) offsets(%dma_start3A_394 : memref<100xi32, #tpu.memory_space<vmem>>) semaphore(%arg8 : memref<!tpu.dma_semaphore, #tpu.memory_space<semaphore_mem>>)
      } else {
      }
      %broadcast_in_dim3A_194 = arith.constant -65536 : i32
      %broadcast_in_dim3A_195 = vector.broadcast %broadcast_in_dim3A_194 : i32 to vector<16xi32>
      %broadcast_in_dim3A_196 = arith.constant 0.000000e+00 : f32
      %broadcast_in_dim3A_197 = vector.broadcast %broadcast_in_dim3A_196 : f32 to vector<16xf32>
      %broadcast_in_dim3A_198 = arith.constant 0.000000e+00 : f32
      %broadcast_in_dim3A_199 = vector.broadcast %broadcast_in_dim3A_198 : f32 to vector<16xf32>
      %broadcast_in_dim3A_200 = arith.constant 0.000000e+00 : f32
      %broadcast_in_dim3A_201 = vector.broadcast %broadcast_in_dim3A_200 : f32 to vector<16xf32>
      %broadcast_in_dim3A_202 = arith.constant 0.000000e+00 : f32
      %broadcast_in_dim3A_203 = vector.broadcast %broadcast_in_dim3A_202 : f32 to vector<16xf32>
      %scan3A_204 = arith.constant 0 : i32
      %scan3A_205 = arith.constant 100 : i32
      %scan3A_206 = arith.addi %scan3A_204, %scan3A_205 : i32
      %scan3A_207 = arith.constant 1 : i32
      %scan3A_208:4 = scf.for %scan3A_372 = %scan3A_204 to %scan3A_206 step %scan3A_207 iter_args(%scan3A_373 = %broadcast_in_dim3A_197, %scan3A_374 = %broadcast_in_dim3A_199, %scan3A_375 = %broadcast_in_dim3A_201, %scan3A_376 = %broadcast_in_dim3A_203) -> (vector<16xf32>, vector<16xf32>, vector<16xf32>, vector<16xf32>)  : i32 {
        %get3A = arith.constant 1 : i32
        %get3A_377 = arith.constant 0 : i32
        %get3A_378 = arith.index_cast %get3A : i32 to index
        %get3A_379 = arith.index_cast %get3A_377 : i32 to index
        %get3A_380 = arith.index_cast %scan3A_372 : i32 to index
        %get3A_381 = arith.constant 0 : index
        %get3A_382 = tpu.vector_load %arg6[%get3A_378, %get3A_379, %get3A_380, %get3A_381] {strides = array<i32>} : memref<4x2x100x32xi32, #tpu.memory_space<vmem>>, vector<1x1x1x16xi32>,
        %get3A_383 = vector.shape_cast %get3A_382 : vector<1x1x1x16xi32> to vector<16xi32>
        %shift_left3A = arith.constant 16 : i32
        %shift_left3A_384 = vector.broadcast %shift_left3A : i32 to vector<16xi32>
        %shift_left3A_385 = arith.shli %get3A_383, %shift_left3A_384 : vector<16xi32>
        %bitcast_convert_type3A = tpu.bitcast %shift_left3A_385 : vector<16xi32> -> vector<16xf32>
        %and3A = arith.andi %get3A_383, %broadcast_in_dim3A_195 : vector<16xi32>
        %bitcast_convert_type3A_386 = tpu.bitcast %and3A : vector<16xi32> -> vector<16xf32>
        %add3A_387 = arith.addf %scan3A_373, %bitcast_convert_type3A : vector<16xf32>
        %add3A_388 = arith.addf %scan3A_375, %bitcast_convert_type3A_386 : vector<16xf32>
        %get3A_389 = arith.constant 1 : i32
        %get3A_390 = arith.constant 1 : i32
        %get3A_391 = arith.index_cast %get3A_389 : i32 to index
        %get3A_392 = arith.index_cast %get3A_390 : i32 to index
        %get3A_393 = arith.index_cast %scan3A_372 : i32 to index
        %get3A_394 = arith.constant 0 : index
        %get3A_395 = tpu.vector_load %arg6[%get3A_391, %get3A_392, %get3A_393, %get3A_394] {strides = array<i32>} : memref<4x2x100x32xi32, #tpu.memory_space<vmem>>, vector<1x1x1x16xi32>,
        %get3A_396 = vector.shape_cast %get3A_395 : vector<1x1x1x16xi32> to vector<16xi32>
        %shift_left3A_397 = arith.constant 16 : i32
        %shift_left3A_398 = vector.broadcast %shift_left3A_397 : i32 to vector<16xi32>
        %shift_left3A_399 = arith.shli %get3A_396, %shift_left3A_398 : vector<16xi32>
        %bitcast_convert_type3A_400 = tpu.bitcast %shift_left3A_399 : vector<16xi32> -> vector<16xf32>
        %and3A_401 = arith.andi %get3A_396, %broadcast_in_dim3A_195 : vector<16xi32>
        %bitcast_convert_type3A_402 = tpu.bitcast %and3A_401 : vector<16xi32> -> vector<16xf32>
        %add3A_403 = arith.addf %add3A_387, %bitcast_convert_type3A_400 : vector<16xf32>
        %add3A_404 = arith.addf %add3A_388, %bitcast_convert_type3A_402 : vector<16xf32>
        %get3A_405 = arith.constant 1 : i32
        %get3A_406 = arith.constant 0 : i32
        %get3A_407 = arith.index_cast %get3A_405 : i32 to index
        %get3A_408 = arith.index_cast %get3A_406 : i32 to index
        %get3A_409 = arith.index_cast %scan3A_372 : i32 to index
        %get3A_410 = arith.constant 16 : index
        %get3A_411 = tpu.vector_load %arg6[%get3A_407, %get3A_408, %get3A_409, %get3A_410] {strides = array<i32>} : memref<4x2x100x32xi32, #tpu.memory_space<vmem>>, vector<1x1x1x16xi32>,
        %get3A_412 = vector.shape_cast %get3A_411 : vector<1x1x1x16xi32> to vector<16xi32>
        %shift_left3A_413 = arith.constant 16 : i32
        %shift_left3A_414 = vector.broadcast %shift_left3A_413 : i32 to vector<16xi32>
        %shift_left3A_415 = arith.shli %get3A_412, %shift_left3A_414 : vector<16xi32>
        %bitcast_convert_type3A_416 = tpu.bitcast %shift_left3A_415 : vector<16xi32> -> vector<16xf32>
        %and3A_417 = arith.andi %get3A_412, %broadcast_in_dim3A_195 : vector<16xi32>
        %bitcast_convert_type3A_418 = tpu.bitcast %and3A_417 : vector<16xi32> -> vector<16xf32>
        %add3A_419 = arith.addf %scan3A_374, %bitcast_convert_type3A_416 : vector<16xf32>
        %add3A_420 = arith.addf %scan3A_376, %bitcast_convert_type3A_418 : vector<16xf32>
        %get3A_421 = arith.constant 1 : i32
        %get3A_422 = arith.constant 1 : i32
        %get3A_423 = arith.index_cast %get3A_421 : i32 to index
        %get3A_424 = arith.index_cast %get3A_422 : i32 to index
        %get3A_425 = arith.index_cast %scan3A_372 : i32 to index
        %get3A_426 = arith.constant 16 : index
        %get3A_427 = tpu.vector_load %arg6[%get3A_423, %get3A_424, %get3A_425, %get3A_426] {strides = array<i32>} : memref<4x2x100x32xi32, #tpu.memory_space<vmem>>, vector<1x1x1x16xi32>,
        %get3A_428 = vector.shape_cast %get3A_427 : vector<1x1x1x16xi32> to vector<16xi32>
        %shift_left3A_429 = arith.constant 16 : i32
        %shift_left3A_430 = vector.broadcast %shift_left3A_429 : i32 to vector<16xi32>
        %shift_left3A_431 = arith.shli %get3A_428, %shift_left3A_430 : vector<16xi32>
        %bitcast_convert_type3A_432 = tpu.bitcast %shift_left3A_431 : vector<16xi32> -> vector<16xf32>
        %and3A_433 = arith.andi %get3A_428, %broadcast_in_dim3A_195 : vector<16xi32>
        %bitcast_convert_type3A_434 = tpu.bitcast %and3A_433 : vector<16xi32> -> vector<16xf32>
        %add3A_435 = arith.addf %add3A_419, %bitcast_convert_type3A_432 : vector<16xf32>
        %add3A_436 = arith.addf %add3A_420, %bitcast_convert_type3A_434 : vector<16xf32>
        scf.yield %add3A_403, %add3A_435, %add3A_404, %add3A_436 : vector<16xf32>, vector<16xf32>, vector<16xf32>, vector<16xf32>
      }
      %scan3A_209 = arith.constant 100 : i32
      %swap3A_210 = arith.index_cast %add3A_160 : i32 to index
      %swap3A_211 = arith.constant 0 : index
      %swap3A_212 = tpu.vector_load %arg7[%swap3A_210, %swap3A_211] {strides = array<i32>} : memref<128x64xf32, #tpu.memory_space<vmem>>, vector<1x16xf32>,
      %swap3A_213 = vector.shape_cast %swap3A_212 : vector<1x16xf32> to vector<16xf32>
      %swap3A_214 = vector.shape_cast %scan3A_208#0 : vector<16xf32> to vector<1x16xf32>
      tpu.vector_store %arg7[%swap3A_210, %swap3A_211], %swap3A_214 {strides = array<i32>} : memref<128x64xf32, #tpu.memory_space<vmem>>, vector<1x16xf32>,
      %swap3A_215 = arith.index_cast %add3A_160 : i32 to index
      %swap3A_216 = arith.constant 16 : index
      %swap3A_217 = tpu.vector_load %arg7[%swap3A_215, %swap3A_216] {strides = array<i32>} : memref<128x64xf32, #tpu.memory_space<vmem>>, vector<1x16xf32>,
      %swap3A_218 = vector.shape_cast %swap3A_217 : vector<1x16xf32> to vector<16xf32>
      %swap3A_219 = vector.shape_cast %scan3A_208#1 : vector<16xf32> to vector<1x16xf32>
      tpu.vector_store %arg7[%swap3A_215, %swap3A_216], %swap3A_219 {strides = array<i32>} : memref<128x64xf32, #tpu.memory_space<vmem>>, vector<1x16xf32>,
      %swap3A_220 = arith.index_cast %add3A_160 : i32 to index
      %swap3A_221 = arith.constant 32 : index
      %swap3A_222 = tpu.vector_load %arg7[%swap3A_220, %swap3A_221] {strides = array<i32>} : memref<128x64xf32, #tpu.memory_space<vmem>>, vector<1x16xf32>,
      %swap3A_223 = vector.shape_cast %swap3A_222 : vector<1x16xf32> to vector<16xf32>
      %swap3A_224 = vector.shape_cast %scan3A_208#2 : vector<16xf32> to vector<1x16xf32>
      tpu.vector_store %arg7[%swap3A_220, %swap3A_221], %swap3A_224 {strides = array<i32>} : memref<128x64xf32, #tpu.memory_space<vmem>>, vector<1x16xf32>,
      %swap3A_225 = arith.index_cast %add3A_160 : i32 to index
      %swap3A_226 = arith.constant 48 : index
      %swap3A_227 = tpu.vector_load %arg7[%swap3A_225, %swap3A_226] {strides = array<i32>} : memref<128x64xf32, #tpu.memory_space<vmem>>, vector<1x16xf32>,
      %swap3A_228 = vector.shape_cast %swap3A_227 : vector<1x16xf32> to vector<16xf32>
      %swap3A_229 = vector.shape_cast %scan3A_208#3 : vector<16xf32> to vector<1x16xf32>
      tpu.vector_store %arg7[%swap3A_225, %swap3A_226], %swap3A_229 {strides = array<i32>} : memref<128x64xf32, #tpu.memory_space<vmem>>, vector<1x16xf32>,
      %add3A_230 = arith.constant 2 : i32
      %add3A_231 = arith.addi %mul3A_93, %add3A_230 : i32
      %dma_wait3A_232 = arith.constant 0 : i32
      %dma_wait3A_233 = arith.constant 2 : i32
      %dma_wait3A_234 = arith.constant 0 : i32
      %dma_wait3A_235 = arith.constant 0 : i32
      %dma_wait3A_236 = arith.constant 0 : i32
      %dma_wait3A_237 = tpu.memref_slice %arg6[%dma_wait3A_233, %dma_wait3A_234, %dma_wait3A_235, %dma_wait3A_236] : memref<4x2x100x32xi32, #tpu.memory_space<vmem>> -> memref<1x1x100x32xi32, #tpu.memory_space<vmem>>
      %dma_wait3A_238 = tpu.memref_squeeze %dma_wait3A_237 : memref<1x1x100x32xi32, #tpu.memory_space<vmem>> -> memref<100x32xi32, #tpu.memory_space<vmem>>
      %dma_wait3A_239 = arith.constant 0 : i32
      %dma_wait3A_240 = tpu.memref_slice %arg5[%add3A_231, %dma_wait3A_232, %dma_wait3A_239] : memref<128x2x100xi32, #tpu.memory_space<vmem>> -> memref<1x1x100xi32, #tpu.memory_space<vmem>>
      %dma_wait3A_241 = tpu.memref_squeeze %dma_wait3A_240 : memref<1x1x100xi32, #tpu.memory_space<vmem>> -> memref<100xi32, #tpu.memory_space<vmem>>
      %dma_wait3A_242 = arith.constant 0 : i32
      %dma_wait3A_243 = arith.constant 0 : i32
      %dma_wait3A_244 = tpu.memref_slice %arg3[%dma_wait3A_242, %dma_wait3A_243] : memref<1015808x32xi32, #tpu.memory_space<hbm>> -> memref<1015808x32xi32, #tpu.memory_space<hbm>>
      tpu.wait_indirect_dma semaphore(%arg10 : memref<!tpu.dma_semaphore, #tpu.memory_space<semaphore_mem>>) src(%dma_wait3A_244 : memref<1015808x32xi32, #tpu.memory_space<hbm>>) dst(%dma_wait3A_238 : memref<100x32xi32, #tpu.memory_space<vmem>>)
      %dma_wait3A_245 = arith.constant 1 : i32
      %dma_wait3A_246 = arith.constant 2 : i32
      %dma_wait3A_247 = arith.constant 1 : i32
      %dma_wait3A_248 = arith.constant 0 : i32
      %dma_wait3A_249 = arith.constant 0 : i32
      %dma_wait3A_250 = tpu.memref_slice %arg6[%dma_wait3A_246, %dma_wait3A_247, %dma_wait3A_248, %dma_wait3A_249] : memref<4x2x100x32xi32, #tpu.memory_space<vmem>> -> memref<1x1x100x32xi32, #tpu.memory_space<vmem>>
      %dma_wait3A_251 = tpu.memref_squeeze %dma_wait3A_250 : memref<1x1x100x32xi32, #tpu.memory_space<vmem>> -> memref<100x32xi32, #tpu.memory_space<vmem>>
      %dma_wait3A_252 = arith.constant 0 : i32
      %dma_wait3A_253 = tpu.memref_slice %arg5[%add3A_231, %dma_wait3A_245, %dma_wait3A_252] : memref<128x2x100xi32, #tpu.memory_space<vmem>> -> memref<1x1x100xi32, #tpu.memory_space<vmem>>
      %dma_wait3A_254 = tpu.memref_squeeze %dma_wait3A_253 : memref<1x1x100xi32, #tpu.memory_space<vmem>> -> memref<100xi32, #tpu.memory_space<vmem>>
      %dma_wait3A_255 = arith.constant 0 : i32
      %dma_wait3A_256 = arith.constant 0 : i32
      %dma_wait3A_257 = tpu.memref_slice %arg3[%dma_wait3A_255, %dma_wait3A_256] : memref<1015808x32xi32, #tpu.memory_space<hbm>> -> memref<1015808x32xi32, #tpu.memory_space<hbm>>
      tpu.wait_indirect_dma semaphore(%arg10 : memref<!tpu.dma_semaphore, #tpu.memory_space<semaphore_mem>>) src(%dma_wait3A_257 : memref<1015808x32xi32, #tpu.memory_space<hbm>>) dst(%dma_wait3A_251 : memref<100x32xi32, #tpu.memory_space<vmem>>)
      %add3A_258 = arith.constant 3 : i32
      %add3A_259 = arith.addi %add3A_231, %add3A_258 : i32
      %lt3A_260 = arith.constant 128 : i32
      %lt3A_261 = arith.cmpi slt, %add3A_259, %lt3A_260 : i32
      %convert_element_type3A_262 = arith.extui %lt3A_261 : i1 to i32
      %cond3A_263 = arith.constant 0 : i32
      %cond3A_264 = arith.cmpi ne, %convert_element_type3A_262, %cond3A_263 : i32
      scf.if %cond3A_264 {
        %dma_start3A_372 = arith.constant 0 : i32
        %dma_start3A_373 = arith.constant 1 : i32
        %dma_start3A_374 = arith.constant 0 : i32
        %dma_start3A_375 = arith.constant 0 : i32
        %dma_start3A_376 = arith.constant 0 : i32
        %dma_start3A_377 = tpu.memref_slice %arg6[%dma_start3A_373, %dma_start3A_374, %dma_start3A_375, %dma_start3A_376] : memref<4x2x100x32xi32, #tpu.memory_space<vmem>> -> memref<1x1x100x32xi32, #tpu.memory_space<vmem>>
        %dma_start3A_378 = tpu.memref_squeeze %dma_start3A_377 : memref<1x1x100x32xi32, #tpu.memory_space<vmem>> -> memref<100x32xi32, #tpu.memory_space<vmem>>
        %dma_start3A_379 = arith.constant 0 : i32
        %dma_start3A_380 = tpu.memref_slice %arg5[%add3A_259, %dma_start3A_372, %dma_start3A_379] : memref<128x2x100xi32, #tpu.memory_space<vmem>> -> memref<1x1x100xi32, #tpu.memory_space<vmem>>
        %dma_start3A_381 = tpu.memref_squeeze %dma_start3A_380 : memref<1x1x100xi32, #tpu.memory_space<vmem>> -> memref<100xi32, #tpu.memory_space<vmem>>
        %dma_start3A_382 = arith.constant 0 : i32
        %dma_start3A_383 = arith.constant 0 : i32
        %dma_start3A_384 = tpu.memref_slice %arg3[%dma_start3A_382, %dma_start3A_383] : memref<1015808x32xi32, #tpu.memory_space<hbm>> -> memref<1015808x32xi32, #tpu.memory_space<hbm>>
        tpu.enqueue_indirect_dma source(%dma_start3A_384 : memref<1015808x32xi32, #tpu.memory_space<hbm>>) target(%dma_start3A_378 : memref<100x32xi32, #tpu.memory_space<vmem>>) offsets(%dma_start3A_381 : memref<100xi32, #tpu.memory_space<vmem>>) semaphore(%arg9 : memref<!tpu.dma_semaphore, #tpu.memory_space<semaphore_mem>>)
        %dma_start3A_385 = arith.constant 1 : i32
        %dma_start3A_386 = arith.constant 1 : i32
        %dma_start3A_387 = arith.constant 1 : i32
        %dma_start3A_388 = arith.constant 0 : i32
        %dma_start3A_389 = arith.constant 0 : i32
        %dma_start3A_390 = tpu.memref_slice %arg6[%dma_start3A_386, %dma_start3A_387, %dma_start3A_388, %dma_start3A_389] : memref<4x2x100x32xi32, #tpu.memory_space<vmem>> -> memref<1x1x100x32xi32, #tpu.memory_space<vmem>>
        %dma_start3A_391 = tpu.memref_squeeze %dma_start3A_390 : memref<1x1x100x32xi32, #tpu.memory_space<vmem>> -> memref<100x32xi32, #tpu.memory_space<vmem>>
        %dma_start3A_392 = arith.constant 0 : i32
        %dma_start3A_393 = tpu.memref_slice %arg5[%add3A_259, %dma_start3A_385, %dma_start3A_392] : memref<128x2x100xi32, #tpu.memory_space<vmem>> -> memref<1x1x100xi32, #tpu.memory_space<vmem>>
        %dma_start3A_394 = tpu.memref_squeeze %dma_start3A_393 : memref<1x1x100xi32, #tpu.memory_space<vmem>> -> memref<100xi32, #tpu.memory_space<vmem>>
        %dma_start3A_395 = arith.constant 0 : i32
        %dma_start3A_396 = arith.constant 0 : i32
        %dma_start3A_397 = tpu.memref_slice %arg3[%dma_start3A_395, %dma_start3A_396] : memref<1015808x32xi32, #tpu.memory_space<hbm>> -> memref<1015808x32xi32, #tpu.memory_space<hbm>>
        tpu.enqueue_indirect_dma source(%dma_start3A_397 : memref<1015808x32xi32, #tpu.memory_space<hbm>>) target(%dma_start3A_391 : memref<100x32xi32, #tpu.memory_space<vmem>>) offsets(%dma_start3A_394 : memref<100xi32, #tpu.memory_space<vmem>>) semaphore(%arg9 : memref<!tpu.dma_semaphore, #tpu.memory_space<semaphore_mem>>)
      } else {
      }
      %broadcast_in_dim3A_265 = arith.constant -65536 : i32
      %broadcast_in_dim3A_266 = vector.broadcast %broadcast_in_dim3A_265 : i32 to vector<16xi32>
      %broadcast_in_dim3A_267 = arith.constant 0.000000e+00 : f32
      %broadcast_in_dim3A_268 = vector.broadcast %broadcast_in_dim3A_267 : f32 to vector<16xf32>
      %broadcast_in_dim3A_269 = arith.constant 0.000000e+00 : f32
      %broadcast_in_dim3A_270 = vector.broadcast %broadcast_in_dim3A_269 : f32 to vector<16xf32>
      %broadcast_in_dim3A_271 = arith.constant 0.000000e+00 : f32
      %broadcast_in_dim3A_272 = vector.broadcast %broadcast_in_dim3A_271 : f32 to vector<16xf32>
      %broadcast_in_dim3A_273 = arith.constant 0.000000e+00 : f32
      %broadcast_in_dim3A_274 = vector.broadcast %broadcast_in_dim3A_273 : f32 to vector<16xf32>
      %scan3A_275 = arith.constant 0 : i32
      %scan3A_276 = arith.constant 100 : i32
      %scan3A_277 = arith.addi %scan3A_275, %scan3A_276 : i32
      %scan3A_278 = arith.constant 1 : i32
      %scan3A_279:4 = scf.for %scan3A_372 = %scan3A_275 to %scan3A_277 step %scan3A_278 iter_args(%scan3A_373 = %broadcast_in_dim3A_268, %scan3A_374 = %broadcast_in_dim3A_270, %scan3A_375 = %broadcast_in_dim3A_272, %scan3A_376 = %broadcast_in_dim3A_274) -> (vector<16xf32>, vector<16xf32>, vector<16xf32>, vector<16xf32>)  : i32 {
        %get3A = arith.constant 2 : i32
        %get3A_377 = arith.constant 0 : i32
        %get3A_378 = arith.index_cast %get3A : i32 to index
        %get3A_379 = arith.index_cast %get3A_377 : i32 to index
        %get3A_380 = arith.index_cast %scan3A_372 : i32 to index
        %get3A_381 = arith.constant 0 : index
        %get3A_382 = tpu.vector_load %arg6[%get3A_378, %get3A_379, %get3A_380, %get3A_381] {strides = array<i32>} : memref<4x2x100x32xi32, #tpu.memory_space<vmem>>, vector<1x1x1x16xi32>,
        %get3A_383 = vector.shape_cast %get3A_382 : vector<1x1x1x16xi32> to vector<16xi32>
        %shift_left3A = arith.constant 16 : i32
        %shift_left3A_384 = vector.broadcast %shift_left3A : i32 to vector<16xi32>
        %shift_left3A_385 = arith.shli %get3A_383, %shift_left3A_384 : vector<16xi32>
        %bitcast_convert_type3A = tpu.bitcast %shift_left3A_385 : vector<16xi32> -> vector<16xf32>
        %and3A = arith.andi %get3A_383, %broadcast_in_dim3A_266 : vector<16xi32>
        %bitcast_convert_type3A_386 = tpu.bitcast %and3A : vector<16xi32> -> vector<16xf32>
        %add3A_387 = arith.addf %scan3A_373, %bitcast_convert_type3A : vector<16xf32>
        %add3A_388 = arith.addf %scan3A_375, %bitcast_convert_type3A_386 : vector<16xf32>
        %get3A_389 = arith.constant 2 : i32
        %get3A_390 = arith.constant 1 : i32
        %get3A_391 = arith.index_cast %get3A_389 : i32 to index
        %get3A_392 = arith.index_cast %get3A_390 : i32 to index
        %get3A_393 = arith.index_cast %scan3A_372 : i32 to index
        %get3A_394 = arith.constant 0 : index
        %get3A_395 = tpu.vector_load %arg6[%get3A_391, %get3A_392, %get3A_393, %get3A_394] {strides = array<i32>} : memref<4x2x100x32xi32, #tpu.memory_space<vmem>>, vector<1x1x1x16xi32>,
        %get3A_396 = vector.shape_cast %get3A_395 : vector<1x1x1x16xi32> to vector<16xi32>
        %shift_left3A_397 = arith.constant 16 : i32
        %shift_left3A_398 = vector.broadcast %shift_left3A_397 : i32 to vector<16xi32>
        %shift_left3A_399 = arith.shli %get3A_396, %shift_left3A_398 : vector<16xi32>
        %bitcast_convert_type3A_400 = tpu.bitcast %shift_left3A_399 : vector<16xi32> -> vector<16xf32>
        %and3A_401 = arith.andi %get3A_396, %broadcast_in_dim3A_266 : vector<16xi32>
        %bitcast_convert_type3A_402 = tpu.bitcast %and3A_401 : vector<16xi32> -> vector<16xf32>
        %add3A_403 = arith.addf %add3A_387, %bitcast_convert_type3A_400 : vector<16xf32>
        %add3A_404 = arith.addf %add3A_388, %bitcast_convert_type3A_402 : vector<16xf32>
        %get3A_405 = arith.constant 2 : i32
        %get3A_406 = arith.constant 0 : i32
        %get3A_407 = arith.index_cast %get3A_405 : i32 to index
        %get3A_408 = arith.index_cast %get3A_406 : i32 to index
        %get3A_409 = arith.index_cast %scan3A_372 : i32 to index
        %get3A_410 = arith.constant 16 : index
        %get3A_411 = tpu.vector_load %arg6[%get3A_407, %get3A_408, %get3A_409, %get3A_410] {strides = array<i32>} : memref<4x2x100x32xi32, #tpu.memory_space<vmem>>, vector<1x1x1x16xi32>,
        %get3A_412 = vector.shape_cast %get3A_411 : vector<1x1x1x16xi32> to vector<16xi32>
        %shift_left3A_413 = arith.constant 16 : i32
        %shift_left3A_414 = vector.broadcast %shift_left3A_413 : i32 to vector<16xi32>
        %shift_left3A_415 = arith.shli %get3A_412, %shift_left3A_414 : vector<16xi32>
        %bitcast_convert_type3A_416 = tpu.bitcast %shift_left3A_415 : vector<16xi32> -> vector<16xf32>
        %and3A_417 = arith.andi %get3A_412, %broadcast_in_dim3A_266 : vector<16xi32>
        %bitcast_convert_type3A_418 = tpu.bitcast %and3A_417 : vector<16xi32> -> vector<16xf32>
        %add3A_419 = arith.addf %scan3A_374, %bitcast_convert_type3A_416 : vector<16xf32>
        %add3A_420 = arith.addf %scan3A_376, %bitcast_convert_type3A_418 : vector<16xf32>
        %get3A_421 = arith.constant 2 : i32
        %get3A_422 = arith.constant 1 : i32
        %get3A_423 = arith.index_cast %get3A_421 : i32 to index
        %get3A_424 = arith.index_cast %get3A_422 : i32 to index
        %get3A_425 = arith.index_cast %scan3A_372 : i32 to index
        %get3A_426 = arith.constant 16 : index
        %get3A_427 = tpu.vector_load %arg6[%get3A_423, %get3A_424, %get3A_425, %get3A_426] {strides = array<i32>} : memref<4x2x100x32xi32, #tpu.memory_space<vmem>>, vector<1x1x1x16xi32>,
        %get3A_428 = vector.shape_cast %get3A_427 : vector<1x1x1x16xi32> to vector<16xi32>
        %shift_left3A_429 = arith.constant 16 : i32
        %shift_left3A_430 = vector.broadcast %shift_left3A_429 : i32 to vector<16xi32>
        %shift_left3A_431 = arith.shli %get3A_428, %shift_left3A_430 : vector<16xi32>
        %bitcast_convert_type3A_432 = tpu.bitcast %shift_left3A_431 : vector<16xi32> -> vector<16xf32>
        %and3A_433 = arith.andi %get3A_428, %broadcast_in_dim3A_266 : vector<16xi32>
        %bitcast_convert_type3A_434 = tpu.bitcast %and3A_433 : vector<16xi32> -> vector<16xf32>
        %add3A_435 = arith.addf %add3A_419, %bitcast_convert_type3A_432 : vector<16xf32>
        %add3A_436 = arith.addf %add3A_420, %bitcast_convert_type3A_434 : vector<16xf32>
        scf.yield %add3A_403, %add3A_435, %add3A_404, %add3A_436 : vector<16xf32>, vector<16xf32>, vector<16xf32>, vector<16xf32>
      }
      %scan3A_280 = arith.constant 100 : i32
      %swap3A_281 = arith.index_cast %add3A_231 : i32 to index
      %swap3A_282 = arith.constant 0 : index
      %swap3A_283 = tpu.vector_load %arg7[%swap3A_281, %swap3A_282] {strides = array<i32>} : memref<128x64xf32, #tpu.memory_space<vmem>>, vector<1x16xf32>,
      %swap3A_284 = vector.shape_cast %swap3A_283 : vector<1x16xf32> to vector<16xf32>
      %swap3A_285 = vector.shape_cast %scan3A_279#0 : vector<16xf32> to vector<1x16xf32>
      tpu.vector_store %arg7[%swap3A_281, %swap3A_282], %swap3A_285 {strides = array<i32>} : memref<128x64xf32, #tpu.memory_space<vmem>>, vector<1x16xf32>,
      %swap3A_286 = arith.index_cast %add3A_231 : i32 to index
      %swap3A_287 = arith.constant 16 : index
      %swap3A_288 = tpu.vector_load %arg7[%swap3A_286, %swap3A_287] {strides = array<i32>} : memref<128x64xf32, #tpu.memory_space<vmem>>, vector<1x16xf32>,
      %swap3A_289 = vector.shape_cast %swap3A_288 : vector<1x16xf32> to vector<16xf32>
      %swap3A_290 = vector.shape_cast %scan3A_279#1 : vector<16xf32> to vector<1x16xf32>
      tpu.vector_store %arg7[%swap3A_286, %swap3A_287], %swap3A_290 {strides = array<i32>} : memref<128x64xf32, #tpu.memory_space<vmem>>, vector<1x16xf32>,
      %swap3A_291 = arith.index_cast %add3A_231 : i32 to index
      %swap3A_292 = arith.constant 32 : index
      %swap3A_293 = tpu.vector_load %arg7[%swap3A_291, %swap3A_292] {strides = array<i32>} : memref<128x64xf32, #tpu.memory_space<vmem>>, vector<1x16xf32>,
      %swap3A_294 = vector.shape_cast %swap3A_293 : vector<1x16xf32> to vector<16xf32>
      %swap3A_295 = vector.shape_cast %scan3A_279#2 : vector<16xf32> to vector<1x16xf32>
      tpu.vector_store %arg7[%swap3A_291, %swap3A_292], %swap3A_295 {strides = array<i32>} : memref<128x64xf32, #tpu.memory_space<vmem>>, vector<1x16xf32>,
      %swap3A_296 = arith.index_cast %add3A_231 : i32 to index
      %swap3A_297 = arith.constant 48 : index
      %swap3A_298 = tpu.vector_load %arg7[%swap3A_296, %swap3A_297] {strides = array<i32>} : memref<128x64xf32, #tpu.memory_space<vmem>>, vector<1x16xf32>,
      %swap3A_299 = vector.shape_cast %swap3A_298 : vector<1x16xf32> to vector<16xf32>
      %swap3A_300 = vector.shape_cast %scan3A_279#3 : vector<16xf32> to vector<1x16xf32>
      tpu.vector_store %arg7[%swap3A_296, %swap3A_297], %swap3A_300 {strides = array<i32>} : memref<128x64xf32, #tpu.memory_space<vmem>>, vector<1x16xf32>,
      %add3A_301 = arith.constant 3 : i32
      %add3A_302 = arith.addi %mul3A_93, %add3A_301 : i32
      %dma_wait3A_303 = arith.constant 0 : i32
      %dma_wait3A_304 = arith.constant 3 : i32
      %dma_wait3A_305 = arith.constant 0 : i32
      %dma_wait3A_306 = arith.constant 0 : i32
      %dma_wait3A_307 = arith.constant 0 : i32
      %dma_wait3A_308 = tpu.memref_slice %arg6[%dma_wait3A_304, %dma_wait3A_305, %dma_wait3A_306, %dma_wait3A_307] : memref<4x2x100x32xi32, #tpu.memory_space<vmem>> -> memref<1x1x100x32xi32, #tpu.memory_space<vmem>>
      %dma_wait3A_309 = tpu.memref_squeeze %dma_wait3A_308 : memref<1x1x100x32xi32, #tpu.memory_space<vmem>> -> memref<100x32xi32, #tpu.memory_space<vmem>>
      %dma_wait3A_310 = arith.constant 0 : i32
      %dma_wait3A_311 = tpu.memref_slice %arg5[%add3A_302, %dma_wait3A_303, %dma_wait3A_310] : memref<128x2x100xi32, #tpu.memory_space<vmem>> -> memref<1x1x100xi32, #tpu.memory_space<vmem>>
      %dma_wait3A_312 = tpu.memref_squeeze %dma_wait3A_311 : memref<1x1x100xi32, #tpu.memory_space<vmem>> -> memref<100xi32, #tpu.memory_space<vmem>>
      %dma_wait3A_313 = arith.constant 0 : i32
      %dma_wait3A_314 = arith.constant 0 : i32
      %dma_wait3A_315 = tpu.memref_slice %arg3[%dma_wait3A_313, %dma_wait3A_314] : memref<1015808x32xi32, #tpu.memory_space<hbm>> -> memref<1015808x32xi32, #tpu.memory_space<hbm>>
      tpu.wait_indirect_dma semaphore(%arg11 : memref<!tpu.dma_semaphore, #tpu.memory_space<semaphore_mem>>) src(%dma_wait3A_315 : memref<1015808x32xi32, #tpu.memory_space<hbm>>) dst(%dma_wait3A_309 : memref<100x32xi32, #tpu.memory_space<vmem>>)
      %dma_wait3A_316 = arith.constant 1 : i32
      %dma_wait3A_317 = arith.constant 3 : i32
      %dma_wait3A_318 = arith.constant 1 : i32
      %dma_wait3A_319 = arith.constant 0 : i32
      %dma_wait3A_320 = arith.constant 0 : i32
      %dma_wait3A_321 = tpu.memref_slice %arg6[%dma_wait3A_317, %dma_wait3A_318, %dma_wait3A_319, %dma_wait3A_320] : memref<4x2x100x32xi32, #tpu.memory_space<vmem>> -> memref<1x1x100x32xi32, #tpu.memory_space<vmem>>
      %dma_wait3A_322 = tpu.memref_squeeze %dma_wait3A_321 : memref<1x1x100x32xi32, #tpu.memory_space<vmem>> -> memref<100x32xi32, #tpu.memory_space<vmem>>
      %dma_wait3A_323 = arith.constant 0 : i32
      %dma_wait3A_324 = tpu.memref_slice %arg5[%add3A_302, %dma_wait3A_316, %dma_wait3A_323] : memref<128x2x100xi32, #tpu.memory_space<vmem>> -> memref<1x1x100xi32, #tpu.memory_space<vmem>>
      %dma_wait3A_325 = tpu.memref_squeeze %dma_wait3A_324 : memref<1x1x100xi32, #tpu.memory_space<vmem>> -> memref<100xi32, #tpu.memory_space<vmem>>
      %dma_wait3A_326 = arith.constant 0 : i32
      %dma_wait3A_327 = arith.constant 0 : i32
      %dma_wait3A_328 = tpu.memref_slice %arg3[%dma_wait3A_326, %dma_wait3A_327] : memref<1015808x32xi32, #tpu.memory_space<hbm>> -> memref<1015808x32xi32, #tpu.memory_space<hbm>>
      tpu.wait_indirect_dma semaphore(%arg11 : memref<!tpu.dma_semaphore, #tpu.memory_space<semaphore_mem>>) src(%dma_wait3A_328 : memref<1015808x32xi32, #tpu.memory_space<hbm>>) dst(%dma_wait3A_322 : memref<100x32xi32, #tpu.memory_space<vmem>>)
      %add3A_329 = arith.constant 3 : i32
      %add3A_330 = arith.addi %add3A_302, %add3A_329 : i32
      %lt3A_331 = arith.constant 128 : i32
      %lt3A_332 = arith.cmpi slt, %add3A_330, %lt3A_331 : i32
      %convert_element_type3A_333 = arith.extui %lt3A_332 : i1 to i32
      %cond3A_334 = arith.constant 0 : i32
      %cond3A_335 = arith.cmpi ne, %convert_element_type3A_333, %cond3A_334 : i32
      scf.if %cond3A_335 {
        %dma_start3A_372 = arith.constant 0 : i32
        %dma_start3A_373 = arith.constant 2 : i32
        %dma_start3A_374 = arith.constant 0 : i32
        %dma_start3A_375 = arith.constant 0 : i32
        %dma_start3A_376 = arith.constant 0 : i32
        %dma_start3A_377 = tpu.memref_slice %arg6[%dma_start3A_373, %dma_start3A_374, %dma_start3A_375, %dma_start3A_376] : memref<4x2x100x32xi32, #tpu.memory_space<vmem>> -> memref<1x1x100x32xi32, #tpu.memory_space<vmem>>
        %dma_start3A_378 = tpu.memref_squeeze %dma_start3A_377 : memref<1x1x100x32xi32, #tpu.memory_space<vmem>> -> memref<100x32xi32, #tpu.memory_space<vmem>>
        %dma_start3A_379 = arith.constant 0 : i32
        %dma_start3A_380 = tpu.memref_slice %arg5[%add3A_330, %dma_start3A_372, %dma_start3A_379] : memref<128x2x100xi32, #tpu.memory_space<vmem>> -> memref<1x1x100xi32, #tpu.memory_space<vmem>>
        %dma_start3A_381 = tpu.memref_squeeze %dma_start3A_380 : memref<1x1x100xi32, #tpu.memory_space<vmem>> -> memref<100xi32, #tpu.memory_space<vmem>>
        %dma_start3A_382 = arith.constant 0 : i32
        %dma_start3A_383 = arith.constant 0 : i32
        %dma_start3A_384 = tpu.memref_slice %arg3[%dma_start3A_382, %dma_start3A_383] : memref<1015808x32xi32, #tpu.memory_space<hbm>> -> memref<1015808x32xi32, #tpu.memory_space<hbm>>
        tpu.enqueue_indirect_dma source(%dma_start3A_384 : memref<1015808x32xi32, #tpu.memory_space<hbm>>) target(%dma_start3A_378 : memref<100x32xi32, #tpu.memory_space<vmem>>) offsets(%dma_start3A_381 : memref<100xi32, #tpu.memory_space<vmem>>) semaphore(%arg10 : memref<!tpu.dma_semaphore, #tpu.memory_space<semaphore_mem>>)
        %dma_start3A_385 = arith.constant 1 : i32
        %dma_start3A_386 = arith.constant 2 : i32
        %dma_start3A_387 = arith.constant 1 : i32
        %dma_start3A_388 = arith.constant 0 : i32
        %dma_start3A_389 = arith.constant 0 : i32
        %dma_start3A_390 = tpu.memref_slice %arg6[%dma_start3A_386, %dma_start3A_387, %dma_start3A_388, %dma_start3A_389] : memref<4x2x100x32xi32, #tpu.memory_space<vmem>> -> memref<1x1x100x32xi32, #tpu.memory_space<vmem>>
        %dma_start3A_391 = tpu.memref_squeeze %dma_start3A_390 : memref<1x1x100x32xi32, #tpu.memory_space<vmem>> -> memref<100x32xi32, #tpu.memory_space<vmem>>
        %dma_start3A_392 = arith.constant 0 : i32
        %dma_start3A_393 = tpu.memref_slice %arg5[%add3A_330, %dma_start3A_385, %dma_start3A_392] : memref<128x2x100xi32, #tpu.memory_space<vmem>> -> memref<1x1x100xi32, #tpu.memory_space<vmem>>
        %dma_start3A_394 = tpu.memref_squeeze %dma_start3A_393 : memref<1x1x100xi32, #tpu.memory_space<vmem>> -> memref<100xi32, #tpu.memory_space<vmem>>
        %dma_start3A_395 = arith.constant 0 : i32
        %dma_start3A_396 = arith.constant 0 : i32
        %dma_start3A_397 = tpu.memref_slice %arg3[%dma_start3A_395, %dma_start3A_396] : memref<1015808x32xi32, #tpu.memory_space<hbm>> -> memref<1015808x32xi32, #tpu.memory_space<hbm>>
        tpu.enqueue_indirect_dma source(%dma_start3A_397 : memref<1015808x32xi32, #tpu.memory_space<hbm>>) target(%dma_start3A_391 : memref<100x32xi32, #tpu.memory_space<vmem>>) offsets(%dma_start3A_394 : memref<100xi32, #tpu.memory_space<vmem>>) semaphore(%arg10 : memref<!tpu.dma_semaphore, #tpu.memory_space<semaphore_mem>>)
      } else {
      }
      %broadcast_in_dim3A_336 = arith.constant -65536 : i32
      %broadcast_in_dim3A_337 = vector.broadcast %broadcast_in_dim3A_336 : i32 to vector<16xi32>
      %broadcast_in_dim3A_338 = arith.constant 0.000000e+00 : f32
      %broadcast_in_dim3A_339 = vector.broadcast %broadcast_in_dim3A_338 : f32 to vector<16xf32>
      %broadcast_in_dim3A_340 = arith.constant 0.000000e+00 : f32
      %broadcast_in_dim3A_341 = vector.broadcast %broadcast_in_dim3A_340 : f32 to vector<16xf32>
      %broadcast_in_dim3A_342 = arith.constant 0.000000e+00 : f32
      %broadcast_in_dim3A_343 = vector.broadcast %broadcast_in_dim3A_342 : f32 to vector<16xf32>
      %broadcast_in_dim3A_344 = arith.constant 0.000000e+00 : f32
      %broadcast_in_dim3A_345 = vector.broadcast %broadcast_in_dim3A_344 : f32 to vector<16xf32>
      %scan3A_346 = arith.constant 0 : i32
      %scan3A_347 = arith.constant 100 : i32
      %scan3A_348 = arith.addi %scan3A_346, %scan3A_347 : i32
      %scan3A_349 = arith.constant 1 : i32
      %scan3A_350:4 = scf.for %scan3A_372 = %scan3A_346 to %scan3A_348 step %scan3A_349 iter_args(%scan3A_373 = %broadcast_in_dim3A_339, %scan3A_374 = %broadcast_in_dim3A_341, %scan3A_375 = %broadcast_in_dim3A_343, %scan3A_376 = %broadcast_in_dim3A_345) -> (vector<16xf32>, vector<16xf32>, vector<16xf32>, vector<16xf32>)  : i32 {
        %get3A = arith.constant 3 : i32
        %get3A_377 = arith.constant 0 : i32
        %get3A_378 = arith.index_cast %get3A : i32 to index
        %get3A_379 = arith.index_cast %get3A_377 : i32 to index
        %get3A_380 = arith.index_cast %scan3A_372 : i32 to index
        %get3A_381 = arith.constant 0 : index
        %get3A_382 = tpu.vector_load %arg6[%get3A_378, %get3A_379, %get3A_380, %get3A_381] {strides = array<i32>} : memref<4x2x100x32xi32, #tpu.memory_space<vmem>>, vector<1x1x1x16xi32>,
        %get3A_383 = vector.shape_cast %get3A_382 : vector<1x1x1x16xi32> to vector<16xi32>
        %shift_left3A = arith.constant 16 : i32
        %shift_left3A_384 = vector.broadcast %shift_left3A : i32 to vector<16xi32>
        %shift_left3A_385 = arith.shli %get3A_383, %shift_left3A_384 : vector<16xi32>
        %bitcast_convert_type3A = tpu.bitcast %shift_left3A_385 : vector<16xi32> -> vector<16xf32>
        %and3A = arith.andi %get3A_383, %broadcast_in_dim3A_337 : vector<16xi32>
        %bitcast_convert_type3A_386 = tpu.bitcast %and3A : vector<16xi32> -> vector<16xf32>
        %add3A_387 = arith.addf %scan3A_373, %bitcast_convert_type3A : vector<16xf32>
        %add3A_388 = arith.addf %scan3A_375, %bitcast_convert_type3A_386 : vector<16xf32>
        %get3A_389 = arith.constant 3 : i32
        %get3A_390 = arith.constant 1 : i32
        %get3A_391 = arith.index_cast %get3A_389 : i32 to index
        %get3A_392 = arith.index_cast %get3A_390 : i32 to index
        %get3A_393 = arith.index_cast %scan3A_372 : i32 to index
        %get3A_394 = arith.constant 0 : index
        %get3A_395 = tpu.vector_load %arg6[%get3A_391, %get3A_392, %get3A_393, %get3A_394] {strides = array<i32>} : memref<4x2x100x32xi32, #tpu.memory_space<vmem>>, vector<1x1x1x16xi32>,
        %get3A_396 = vector.shape_cast %get3A_395 : vector<1x1x1x16xi32> to vector<16xi32>
        %shift_left3A_397 = arith.constant 16 : i32
        %shift_left3A_398 = vector.broadcast %shift_left3A_397 : i32 to vector<16xi32>
        %shift_left3A_399 = arith.shli %get3A_396, %shift_left3A_398 : vector<16xi32>
        %bitcast_convert_type3A_400 = tpu.bitcast %shift_left3A_399 : vector<16xi32> -> vector<16xf32>
        %and3A_401 = arith.andi %get3A_396, %broadcast_in_dim3A_337 : vector<16xi32>
        %bitcast_convert_type3A_402 = tpu.bitcast %and3A_401 : vector<16xi32> -> vector<16xf32>
        %add3A_403 = arith.addf %add3A_387, %bitcast_convert_type3A_400 : vector<16xf32>
        %add3A_404 = arith.addf %add3A_388, %bitcast_convert_type3A_402 : vector<16xf32>
        %get3A_405 = arith.constant 3 : i32
        %get3A_406 = arith.constant 0 : i32
        %get3A_407 = arith.index_cast %get3A_405 : i32 to index
        %get3A_408 = arith.index_cast %get3A_406 : i32 to index
        %get3A_409 = arith.index_cast %scan3A_372 : i32 to index
        %get3A_410 = arith.constant 16 : index
        %get3A_411 = tpu.vector_load %arg6[%get3A_407, %get3A_408, %get3A_409, %get3A_410] {strides = array<i32>} : memref<4x2x100x32xi32, #tpu.memory_space<vmem>>, vector<1x1x1x16xi32>,
        %get3A_412 = vector.shape_cast %get3A_411 : vector<1x1x1x16xi32> to vector<16xi32>
        %shift_left3A_413 = arith.constant 16 : i32
        %shift_left3A_414 = vector.broadcast %shift_left3A_413 : i32 to vector<16xi32>
        %shift_left3A_415 = arith.shli %get3A_412, %shift_left3A_414 : vector<16xi32>
        %bitcast_convert_type3A_416 = tpu.bitcast %shift_left3A_415 : vector<16xi32> -> vector<16xf32>
        %and3A_417 = arith.andi %get3A_412, %broadcast_in_dim3A_337 : vector<16xi32>
        %bitcast_convert_type3A_418 = tpu.bitcast %and3A_417 : vector<16xi32> -> vector<16xf32>
        %add3A_419 = arith.addf %scan3A_374, %bitcast_convert_type3A_416 : vector<16xf32>
        %add3A_420 = arith.addf %scan3A_376, %bitcast_convert_type3A_418 : vector<16xf32>
        %get3A_421 = arith.constant 3 : i32
        %get3A_422 = arith.constant 1 : i32
        %get3A_423 = arith.index_cast %get3A_421 : i32 to index
        %get3A_424 = arith.index_cast %get3A_422 : i32 to index
        %get3A_425 = arith.index_cast %scan3A_372 : i32 to index
        %get3A_426 = arith.constant 16 : index
        %get3A_427 = tpu.vector_load %arg6[%get3A_423, %get3A_424, %get3A_425, %get3A_426] {strides = array<i32>} : memref<4x2x100x32xi32, #tpu.memory_space<vmem>>, vector<1x1x1x16xi32>,
        %get3A_428 = vector.shape_cast %get3A_427 : vector<1x1x1x16xi32> to vector<16xi32>
        %shift_left3A_429 = arith.constant 16 : i32
        %shift_left3A_430 = vector.broadcast %shift_left3A_429 : i32 to vector<16xi32>
        %shift_left3A_431 = arith.shli %get3A_428, %shift_left3A_430 : vector<16xi32>
        %bitcast_convert_type3A_432 = tpu.bitcast %shift_left3A_431 : vector<16xi32> -> vector<16xf32>
        %and3A_433 = arith.andi %get3A_428, %broadcast_in_dim3A_337 : vector<16xi32>
        %bitcast_convert_type3A_434 = tpu.bitcast %and3A_433 : vector<16xi32> -> vector<16xf32>
        %add3A_435 = arith.addf %add3A_419, %bitcast_convert_type3A_432 : vector<16xf32>
        %add3A_436 = arith.addf %add3A_420, %bitcast_convert_type3A_434 : vector<16xf32>
        scf.yield %add3A_403, %add3A_435, %add3A_404, %add3A_436 : vector<16xf32>, vector<16xf32>, vector<16xf32>, vector<16xf32>
      }
      %scan3A_351 = arith.constant 100 : i32
      %swap3A_352 = arith.index_cast %add3A_302 : i32 to index
      %swap3A_353 = arith.constant 0 : index
      %swap3A_354 = tpu.vector_load %arg7[%swap3A_352, %swap3A_353] {strides = array<i32>} : memref<128x64xf32, #tpu.memory_space<vmem>>, vector<1x16xf32>,
      %swap3A_355 = vector.shape_cast %swap3A_354 : vector<1x16xf32> to vector<16xf32>
      %swap3A_356 = vector.shape_cast %scan3A_350#0 : vector<16xf32> to vector<1x16xf32>
      tpu.vector_store %arg7[%swap3A_352, %swap3A_353], %swap3A_356 {strides = array<i32>} : memref<128x64xf32, #tpu.memory_space<vmem>>, vector<1x16xf32>,
      %swap3A_357 = arith.index_cast %add3A_302 : i32 to index
      %swap3A_358 = arith.constant 16 : index
      %swap3A_359 = tpu.vector_load %arg7[%swap3A_357, %swap3A_358] {strides = array<i32>} : memref<128x64xf32, #tpu.memory_space<vmem>>, vector<1x16xf32>,
      %swap3A_360 = vector.shape_cast %swap3A_359 : vector<1x16xf32> to vector<16xf32>
      %swap3A_361 = vector.shape_cast %scan3A_350#1 : vector<16xf32> to vector<1x16xf32>
      tpu.vector_store %arg7[%swap3A_357, %swap3A_358], %swap3A_361 {strides = array<i32>} : memref<128x64xf32, #tpu.memory_space<vmem>>, vector<1x16xf32>,
      %swap3A_362 = arith.index_cast %add3A_302 : i32 to index
      %swap3A_363 = arith.constant 32 : index
      %swap3A_364 = tpu.vector_load %arg7[%swap3A_362, %swap3A_363] {strides = array<i32>} : memref<128x64xf32, #tpu.memory_space<vmem>>, vector<1x16xf32>,
      %swap3A_365 = vector.shape_cast %swap3A_364 : vector<1x16xf32> to vector<16xf32>
      %swap3A_366 = vector.shape_cast %scan3A_350#2 : vector<16xf32> to vector<1x16xf32>
      tpu.vector_store %arg7[%swap3A_362, %swap3A_363], %swap3A_366 {strides = array<i32>} : memref<128x64xf32, #tpu.memory_space<vmem>>, vector<1x16xf32>,
      %swap3A_367 = arith.index_cast %add3A_302 : i32 to index
      %swap3A_368 = arith.constant 48 : index
      %swap3A_369 = tpu.vector_load %arg7[%swap3A_367, %swap3A_368] {strides = array<i32>} : memref<128x64xf32, #tpu.memory_space<vmem>>, vector<1x16xf32>,
      %swap3A_370 = vector.shape_cast %swap3A_369 : vector<1x16xf32> to vector<16xf32>
      %swap3A_371 = vector.shape_cast %scan3A_350#3 : vector<16xf32> to vector<1x16xf32>
      tpu.vector_store %arg7[%swap3A_367, %swap3A_368], %swap3A_371 {strides = array<i32>} : memref<128x64xf32, #tpu.memory_space<vmem>>, vector<1x16xf32>,
    }
    %scan3A_90 = arith.constant 32 : i32
    "tpu.region"() ({
      %run_scoped3A = tpu.sem_alloc : memref<!tpu.dma_semaphore, #tpu.memory_space<semaphore_mem>>
      %dma_start3A_91 = arith.constant 0 : i32
      %dma_start3A_92 = tpu.memref_slice %arg4[%mul3A_2, %dma_start3A_91] : memref<4096x64xf32, #tpu.memory_space<hbm>> -> memref<128x64xf32, #tpu.memory_space<hbm>>
      %dma_start3A_93 = arith.constant 0 : i32
      %dma_start3A_94 = tpu.memref_slice %arg4[%mul3A_2, %dma_start3A_93] : memref<4096x64xf32, #tpu.memory_space<hbm>> -> memref<128x64xf32, #tpu.memory_space<hbm>>
      tpu.enqueue_dma source(%arg7 : memref<128x64xf32, #tpu.memory_space<vmem>>) target(%dma_start3A_94 : memref<128x64xf32, #tpu.memory_space<hbm>>) target_semaphore(%run_scoped3A : memref<!tpu.dma_semaphore, #tpu.memory_space<semaphore_mem>>)
      %dma_wait3A = arith.constant 0 : i32
      %dma_wait3A_95 = tpu.memref_slice %arg4[%mul3A_2, %dma_wait3A] : memref<4096x64xf32, #tpu.memory_space<hbm>> -> memref<128x64xf32, #tpu.memory_space<hbm>>
      %dma_wait3A_96 = arith.constant 0 : i32
      %dma_wait3A_97 = tpu.memref_slice %arg4[%mul3A_2, %dma_wait3A_96] : memref<4096x64xf32, #tpu.memory_space<hbm>> -> memref<128x64xf32, #tpu.memory_space<hbm>>
      tpu.wait_dma2 semaphore(%run_scoped3A : memref<!tpu.dma_semaphore, #tpu.memory_space<semaphore_mem>>) src(%arg7 : memref<128x64xf32, #tpu.memory_space<vmem>>) dst(%dma_wait3A_97 : memref<128x64xf32, #tpu.memory_space<hbm>>)
      tpu.yield
    }) : () -> ()
    return
  }
}

module attributes {stable_mosaic.version = 14 : i64} {
  func.func @_pack_block(%arg0: i32, %arg1: memref<64x16384xf32, #tpu.memory_space<vmem>>, %arg2: memref<4096x128xi32, #tpu.memory_space<vmem>>) attributes {dimension_semantics = [#tpu.dimension_semantics<parallel>], iteration_bounds = array<i64: 62>, scalar_prefetch = 0 : i64, scratch_operands = 0 : i64, tpu.core_type = #tpu.core_type<tc>, window_params = [{transform_indices = @transform_0, window_bounds = array<i64: 64, 16384>}, {transform_indices = @transform_1, window_bounds = array<i64: 4096, 128>}]} {
    %get3A = arith.constant 0 : index
    %get3A_0 = arith.constant 0 : index
    %get3A_1 = vector.load %arg1[%get3A, %get3A_0] : memref<64x16384xf32, #tpu.memory_space<vmem>>, vector<64x16384xf32>
    %bitcast_convert_type3A = tpu.bitcast %get3A_1 : vector<64x16384xf32> -> vector<64x16384xi32>
    %slice3A = vector.extract_strided_slice %bitcast_convert_type3A {offsets = [0, 0], sizes = [64, 4096], strides = [1, 1]} : vector<64x16384xi32> to vector<64x4096xi32>
    %slice3A_2 = vector.extract_strided_slice %slice3A {offsets = [0, 0], sizes = [32, 4096], strides = [1, 1]} : vector<64x4096xi32> to vector<32x4096xi32>
    %add3A = arith.constant 32768 : i32
    %add3A_3 = vector.broadcast %add3A : i32 to vector<32x4096xi32>
    %add3A_4 = arith.addi %slice3A_2, %add3A_3 : vector<32x4096xi32>
    %shift_right_logical3A = arith.constant 16 : i32
    %shift_right_logical3A_5 = vector.broadcast %shift_right_logical3A : i32 to vector<32x4096xi32>
    %shift_right_logical3A_6 = arith.shrui %add3A_4, %shift_right_logical3A_5 : vector<32x4096xi32>
    %slice3A_7 = vector.extract_strided_slice %slice3A {offsets = [32, 0], sizes = [32, 4096], strides = [1, 1]} : vector<64x4096xi32> to vector<32x4096xi32>
    %add3A_8 = arith.constant 32768 : i32
    %add3A_9 = vector.broadcast %add3A_8 : i32 to vector<32x4096xi32>
    %add3A_10 = arith.addi %slice3A_7, %add3A_9 : vector<32x4096xi32>
    %and3A = arith.constant -65536 : i32
    %and3A_11 = vector.broadcast %and3A : i32 to vector<32x4096xi32>
    %and3A_12 = arith.andi %add3A_10, %and3A_11 : vector<32x4096xi32>
    %or3A = arith.ori %shift_right_logical3A_6, %and3A_12 : vector<32x4096xi32>
    %transpose3A = tpu.transpose %or3A, [1, 0] : vector<32x4096xi32> -> vector<4096x32xi32>
    %swap3A = arith.constant 0 : index
    %swap3A_13 = arith.constant 0 : index
    %swap3A_14 = vector.load %arg2[%swap3A, %swap3A_13] : memref<4096x128xi32, #tpu.memory_space<vmem>>, vector<4096x32xi32>
    tpu.vector_store %arg2[%swap3A, %swap3A_13], %transpose3A {strides = array<i32>} : memref<4096x128xi32, #tpu.memory_space<vmem>>, vector<4096x32xi32>,
    %slice3A_15 = vector.extract_strided_slice %bitcast_convert_type3A {offsets = [0, 4096], sizes = [64, 4096], strides = [1, 1]} : vector<64x16384xi32> to vector<64x4096xi32>
    %slice3A_16 = vector.extract_strided_slice %slice3A_15 {offsets = [0, 0], sizes = [32, 4096], strides = [1, 1]} : vector<64x4096xi32> to vector<32x4096xi32>
    %add3A_17 = arith.constant 32768 : i32
    %add3A_18 = vector.broadcast %add3A_17 : i32 to vector<32x4096xi32>
    %add3A_19 = arith.addi %slice3A_16, %add3A_18 : vector<32x4096xi32>
    %shift_right_logical3A_20 = arith.constant 16 : i32
    %shift_right_logical3A_21 = vector.broadcast %shift_right_logical3A_20 : i32 to vector<32x4096xi32>
    %shift_right_logical3A_22 = arith.shrui %add3A_19, %shift_right_logical3A_21 : vector<32x4096xi32>
    %slice3A_23 = vector.extract_strided_slice %slice3A_15 {offsets = [32, 0], sizes = [32, 4096], strides = [1, 1]} : vector<64x4096xi32> to vector<32x4096xi32>
    %add3A_24 = arith.constant 32768 : i32
    %add3A_25 = vector.broadcast %add3A_24 : i32 to vector<32x4096xi32>
    %add3A_26 = arith.addi %slice3A_23, %add3A_25 : vector<32x4096xi32>
    %and3A_27 = arith.constant -65536 : i32
    %and3A_28 = vector.broadcast %and3A_27 : i32 to vector<32x4096xi32>
    %and3A_29 = arith.andi %add3A_26, %and3A_28 : vector<32x4096xi32>
    %or3A_30 = arith.ori %shift_right_logical3A_22, %and3A_29 : vector<32x4096xi32>
    %transpose3A_31 = tpu.transpose %or3A_30, [1, 0] : vector<32x4096xi32> -> vector<4096x32xi32>
    %swap3A_32 = arith.constant 0 : index
    %swap3A_33 = arith.constant 32 : index
    %swap3A_34 = vector.load %arg2[%swap3A_32, %swap3A_33] : memref<4096x128xi32, #tpu.memory_space<vmem>>, vector<4096x32xi32>
    tpu.vector_store %arg2[%swap3A_32, %swap3A_33], %transpose3A_31 {strides = array<i32>} : memref<4096x128xi32, #tpu.memory_space<vmem>>, vector<4096x32xi32>,
    %slice3A_35 = vector.extract_strided_slice %bitcast_convert_type3A {offsets = [0, 8192], sizes = [64, 4096], strides = [1, 1]} : vector<64x16384xi32> to vector<64x4096xi32>
    %slice3A_36 = vector.extract_strided_slice %slice3A_35 {offsets = [0, 0], sizes = [32, 4096], strides = [1, 1]} : vector<64x4096xi32> to vector<32x4096xi32>
    %add3A_37 = arith.constant 32768 : i32
    %add3A_38 = vector.broadcast %add3A_37 : i32 to vector<32x4096xi32>
    %add3A_39 = arith.addi %slice3A_36, %add3A_38 : vector<32x4096xi32>
    %shift_right_logical3A_40 = arith.constant 16 : i32
    %shift_right_logical3A_41 = vector.broadcast %shift_right_logical3A_40 : i32 to vector<32x4096xi32>
    %shift_right_logical3A_42 = arith.shrui %add3A_39, %shift_right_logical3A_41 : vector<32x4096xi32>
    %slice3A_43 = vector.extract_strided_slice %slice3A_35 {offsets = [32, 0], sizes = [32, 4096], strides = [1, 1]} : vector<64x4096xi32> to vector<32x4096xi32>
    %add3A_44 = arith.constant 32768 : i32
    %add3A_45 = vector.broadcast %add3A_44 : i32 to vector<32x4096xi32>
    %add3A_46 = arith.addi %slice3A_43, %add3A_45 : vector<32x4096xi32>
    %and3A_47 = arith.constant -65536 : i32
    %and3A_48 = vector.broadcast %and3A_47 : i32 to vector<32x4096xi32>
    %and3A_49 = arith.andi %add3A_46, %and3A_48 : vector<32x4096xi32>
    %or3A_50 = arith.ori %shift_right_logical3A_42, %and3A_49 : vector<32x4096xi32>
    %transpose3A_51 = tpu.transpose %or3A_50, [1, 0] : vector<32x4096xi32> -> vector<4096x32xi32>
    %swap3A_52 = arith.constant 0 : index
    %swap3A_53 = arith.constant 64 : index
    %swap3A_54 = vector.load %arg2[%swap3A_52, %swap3A_53] : memref<4096x128xi32, #tpu.memory_space<vmem>>, vector<4096x32xi32>
    tpu.vector_store %arg2[%swap3A_52, %swap3A_53], %transpose3A_51 {strides = array<i32>} : memref<4096x128xi32, #tpu.memory_space<vmem>>, vector<4096x32xi32>,
    %slice3A_55 = vector.extract_strided_slice %bitcast_convert_type3A {offsets = [0, 12288], sizes = [64, 4096], strides = [1, 1]} : vector<64x16384xi32> to vector<64x4096xi32>
    %slice3A_56 = vector.extract_strided_slice %slice3A_55 {offsets = [0, 0], sizes = [32, 4096], strides = [1, 1]} : vector<64x4096xi32> to vector<32x4096xi32>
    %add3A_57 = arith.constant 32768 : i32
    %add3A_58 = vector.broadcast %add3A_57 : i32 to vector<32x4096xi32>
    %add3A_59 = arith.addi %slice3A_56, %add3A_58 : vector<32x4096xi32>
    %shift_right_logical3A_60 = arith.constant 16 : i32
    %shift_right_logical3A_61 = vector.broadcast %shift_right_logical3A_60 : i32 to vector<32x4096xi32>
    %shift_right_logical3A_62 = arith.shrui %add3A_59, %shift_right_logical3A_61 : vector<32x4096xi32>
    %slice3A_63 = vector.extract_strided_slice %slice3A_55 {offsets = [32, 0], sizes = [32, 4096], strides = [1, 1]} : vector<64x4096xi32> to vector<32x4096xi32>
    %add3A_64 = arith.constant 32768 : i32
    %add3A_65 = vector.broadcast %add3A_64 : i32 to vector<32x4096xi32>
    %add3A_66 = arith.addi %slice3A_63, %add3A_65 : vector<32x4096xi32>
    %and3A_67 = arith.constant -65536 : i32
    %and3A_68 = vector.broadcast %and3A_67 : i32 to vector<32x4096xi32>
    %and3A_69 = arith.andi %add3A_66, %and3A_68 : vector<32x4096xi32>
    %or3A_70 = arith.ori %shift_right_logical3A_62, %and3A_69 : vector<32x4096xi32>
    %transpose3A_71 = tpu.transpose %or3A_70, [1, 0] : vector<32x4096xi32> -> vector<4096x32xi32>
    %swap3A_72 = arith.constant 0 : index
    %swap3A_73 = arith.constant 96 : index
    %swap3A_74 = vector.load %arg2[%swap3A_72, %swap3A_73] : memref<4096x128xi32, #tpu.memory_space<vmem>>, vector<4096x32xi32>
    tpu.vector_store %arg2[%swap3A_72, %swap3A_73], %transpose3A_71 {strides = array<i32>} : memref<4096x128xi32, #tpu.memory_space<vmem>>, vector<4096x32xi32>,
    return
  }
  func.func @transform_0(%arg0: i32) -> (i32, i32) {
    %c0_i32 = arith.constant 0 : i32
    %c0_i32_0 = arith.constant 0 : i32
    return %c0_i32, %arg0 : i32, i32
  }
  func.func @transform_1(%arg0: i32) -> (i32, i32) {
    %c0_i32 = arith.constant 0 : i32
    %c0_i32_0 = arith.constant 0 : i32
    return %arg0, %c0_i32 : i32, i32
  }
}

module attributes {stable_mosaic.version = 14 : i64} {
  func.func @_mlp_block(%arg0: i32, %arg1: memref<512x64xf32, #tpu.memory_space<vmem>>, %arg2: memref<64x256xf32, #tpu.memory_space<vmem>>, %arg3: memref<1x256xf32, #tpu.memory_space<vmem>>, %arg4: memref<256x256xf32, #tpu.memory_space<vmem>>, %arg5: memref<1x256xf32, #tpu.memory_space<vmem>>, %arg6: memref<256x5xf32, #tpu.memory_space<vmem>>, %arg7: memref<1x5xf32, #tpu.memory_space<vmem>>, %arg8: memref<512x5xf32, #tpu.memory_space<vmem>>) attributes {dimension_semantics = [#tpu.dimension_semantics<parallel>], iteration_bounds = array<i64: 8>, scalar_prefetch = 0 : i64, scratch_operands = 0 : i64, tpu.core_type = #tpu.core_type<tc>, window_params = [{transform_indices = @transform_0, window_bounds = array<i64: 512, 64>}, {pipeline_mode = #tpu.pipeline_mode<synchronous>, transform_indices = @transform_1, window_bounds = array<i64: 64, 256>}, {pipeline_mode = #tpu.pipeline_mode<synchronous>, transform_indices = @transform_2, window_bounds = array<i64: 1, 256>}, {pipeline_mode = #tpu.pipeline_mode<synchronous>, transform_indices = @transform_3, window_bounds = array<i64: 256, 256>}, {pipeline_mode = #tpu.pipeline_mode<synchronous>, transform_indices = @transform_4, window_bounds = array<i64: 1, 256>}, {pipeline_mode = #tpu.pipeline_mode<synchronous>, transform_indices = @transform_5, window_bounds = array<i64: 256, 5>}, {pipeline_mode = #tpu.pipeline_mode<synchronous>, transform_indices = @transform_6, window_bounds = array<i64: 1, 5>}, {transform_indices = @transform_7, window_bounds = array<i64: 512, 5>}]} {
    %get3A = arith.constant 0 : index
    %get3A_0 = arith.constant 0 : index
    %get3A_1 = vector.load %arg1[%get3A, %get3A_0] : memref<512x64xf32, #tpu.memory_space<vmem>>, vector<512x64xf32>
    %get3A_2 = arith.constant 0 : index
    %get3A_3 = arith.constant 0 : index
    %get3A_4 = vector.load %arg2[%get3A_2, %get3A_3] : memref<64x256xf32, #tpu.memory_space<vmem>>, vector<64x256xf32>
    %dot_general3A = arith.constant dense<0.000000e+00> : vector<512x256xf32>
    %dot_general3A_5 = tpu.matmul %get3A_1, %get3A_4, %dot_general3A {dimension_numbers = #tpu.dot_dimension_numbers<[1], [0], [0], [1], [0, 0, 1, 1], [], []>, transpose_lhs_hint = false} : vector<512x64xf32>, vector<64x256xf32>, vector<512x256xf32> -> vector<512x256xf32>
    %get3A_6 = arith.constant 0 : index
    %get3A_7 = arith.constant 0 : index
    %get3A_8 = vector.load %arg3[%get3A_6, %get3A_7] : memref<1x256xf32, #tpu.memory_space<vmem>>, vector<1x256xf32>
    %add3A = vector.broadcast %get3A_8 : vector<1x256xf32> to vector<512x256xf32>
    %add3A_9 = arith.addf %dot_general3A_5, %add3A : vector<512x256xf32>
    %max3A = arith.constant 0.000000e+00 : f32
    %max3A_10 = vector.broadcast %max3A : f32 to vector<512x256xf32>
    %max3A_11 = arith.maximumf %add3A_9, %max3A_10 : vector<512x256xf32>
    %get3A_12 = arith.constant 0 : index
    %get3A_13 = arith.constant 0 : index
    %get3A_14 = vector.load %arg4[%get3A_12, %get3A_13] : memref<256x256xf32, #tpu.memory_space<vmem>>, vector<256x256xf32>
    %dot_general3A_15 = arith.constant dense<0.000000e+00> : vector<512x256xf32>
    %dot_general3A_16 = tpu.matmul %max3A_11, %get3A_14, %dot_general3A_15 {dimension_numbers = #tpu.dot_dimension_numbers<[1], [0], [0], [1], [0, 0, 1, 1], [], []>, transpose_lhs_hint = false} : vector<512x256xf32>, vector<256x256xf32>, vector<512x256xf32> -> vector<512x256xf32>
    %get3A_17 = arith.constant 0 : index
    %get3A_18 = arith.constant 0 : index
    %get3A_19 = vector.load %arg5[%get3A_17, %get3A_18] : memref<1x256xf32, #tpu.memory_space<vmem>>, vector<1x256xf32>
    %add3A_20 = vector.broadcast %get3A_19 : vector<1x256xf32> to vector<512x256xf32>
    %add3A_21 = arith.addf %dot_general3A_16, %add3A_20 : vector<512x256xf32>
    %max3A_22 = arith.constant 0.000000e+00 : f32
    %max3A_23 = vector.broadcast %max3A_22 : f32 to vector<512x256xf32>
    %max3A_24 = arith.maximumf %add3A_21, %max3A_23 : vector<512x256xf32>
    %get3A_25 = arith.constant 0 : index
    %get3A_26 = arith.constant 0 : index
    %get3A_27 = vector.load %arg6[%get3A_25, %get3A_26] : memref<256x5xf32, #tpu.memory_space<vmem>>, vector<256x5xf32>
    %dot_general3A_28 = arith.constant dense<0.000000e+00> : vector<512x5xf32>
    %dot_general3A_29 = tpu.matmul %max3A_24, %get3A_27, %dot_general3A_28 {dimension_numbers = #tpu.dot_dimension_numbers<[1], [0], [0], [1], [0, 0, 1, 1], [], []>, transpose_lhs_hint = false} : vector<512x256xf32>, vector<256x5xf32>, vector<512x5xf32> -> vector<512x5xf32>
    %get3A_30 = arith.constant 0 : index
    %get3A_31 = arith.constant 0 : index
    %get3A_32 = vector.load %arg7[%get3A_30, %get3A_31] : memref<1x5xf32, #tpu.memory_space<vmem>>, vector<1x5xf32>
    %add3A_33 = vector.broadcast %get3A_32 : vector<1x5xf32> to vector<512x5xf32>
    %add3A_34 = arith.addf %dot_general3A_29, %add3A_33 : vector<512x5xf32>
    %swap3A = arith.constant 0 : index
    %swap3A_35 = arith.constant 0 : index
    %swap3A_36 = vector.load %arg8[%swap3A, %swap3A_35] : memref<512x5xf32, #tpu.memory_space<vmem>>, vector<512x5xf32>
    tpu.vector_store %arg8[%swap3A, %swap3A_35], %add3A_34 {strides = array<i32>} : memref<512x5xf32, #tpu.memory_space<vmem>>, vector<512x5xf32>,
    return
  }
  func.func @transform_0(%arg0: i32) -> (i32, i32) {
    %c0_i32 = arith.constant 0 : i32
    %c0_i32_0 = arith.constant 0 : i32
    return %arg0, %c0_i32 : i32, i32
  }
  func.func @transform_1(%arg0: i32) -> (i32, i32) {
    %c0_i32 = arith.constant 0 : i32
    %c0_i32_0 = arith.constant 0 : i32
    %c0_i32_1 = arith.constant 0 : i32
    return %c0_i32, %c0_i32_0 : i32, i32
  }
  func.func @transform_2(%arg0: i32) -> (i32, i32) {
    %c0_i32 = arith.constant 0 : i32
    %c0_i32_0 = arith.constant 0 : i32
    %c0_i32_1 = arith.constant 0 : i32
    return %c0_i32, %c0_i32_0 : i32, i32
  }
  func.func @transform_3(%arg0: i32) -> (i32, i32) {
    %c0_i32 = arith.constant 0 : i32
    %c0_i32_0 = arith.constant 0 : i32
    %c0_i32_1 = arith.constant 0 : i32
    return %c0_i32, %c0_i32_0 : i32, i32
  }
  func.func @transform_4(%arg0: i32) -> (i32, i32) {
    %c0_i32 = arith.constant 0 : i32
    %c0_i32_0 = arith.constant 0 : i32
    %c0_i32_1 = arith.constant 0 : i32
    return %c0_i32, %c0_i32_0 : i32, i32
  }
  func.func @transform_5(%arg0: i32) -> (i32, i32) {
    %c0_i32 = arith.constant 0 : i32
    %c0_i32_0 = arith.constant 0 : i32
    %c0_i32_1 = arith.constant 0 : i32
    return %c0_i32, %c0_i32_0 : i32, i32
  }
  func.func @transform_6(%arg0: i32) -> (i32, i32) {
    %c0_i32 = arith.constant 0 : i32
    %c0_i32_0 = arith.constant 0 : i32
    %c0_i32_1 = arith.constant 0 : i32
    return %c0_i32, %c0_i32_0 : i32, i32
  }
  func.func @transform_7(%arg0: i32) -> (i32, i32) {
    %c0_i32 = arith.constant 0 : i32
    %c0_i32_0 = arith.constant 0 : i32
    return %arg0, %c0_i32 : i32, i32
  }
}

</mosaic_0001>

<sc_bundles>
// kernel: kernel.5.cloned.1.call-start
scs
__scs_entry_jumppad:
0x0: {  	(pc) =	sbr.rel $0x88, $3  }
0x1: {  	(tag) =	ssettag $0x0;
	lr =	simm.s32 $0x1  }
0x2: {  	[smem:$0x3F99] =	sst lr;
	_ =	strace $0xD0000000  }
0x3: {  	_ = 	snop  }
0x4: {  	_ = 	snop  }
0x5: {  	_ = 	snop  }
0x6: {  	_ = 	snop  }
0x7: {  	_ = 	snop  }
__scs_overlays_trampoline_lowered:
0x8: {  	[smem:$0x3FA8] =	sst s0  }
0x9: {  	[smem:$0x3FA9] =	sst s1  }
0xa: {  	[smem:$0x3FAA] =	sst s2  }
0xb: {  	[smem:$0x3FAB] =	sst s3  }
0xc: {  	[smem:$0x3FAC] =	sst s4  }
0xd: {  	[smem:$0x3FAD] =	sst s5  }
0xe: {  	[smem:$0x3FAE] =	sst s6  }
0xf: {  	[smem:$0x3FAF] =	sst s7  }
0x10: {  	[smem:$0x3FB0] =	sst s8  }
0x11: {  	[smem:$0x3FB1] =	sst s9;
	s0 =	simm.s32 @!p0 $0x0  }
0x12: {  	s1 =	sld [smem:$0x3F97];
	s0 =	simm.s32 @p0 $0x1  }
0x13: {  	[smem:$0x3FB2] =	sst s0;
	s0 =	simm.s32 @!p1 $0x0  }
0x14: {  	s2 =	sld [smem:$0x3F96];
	s0 =	simm.s32 @p1 $0x1  }
0x15: {  	[smem:$0x3FB3] =	sst s0;
	s0 =	simm.s32 @!p2 $0x0  }
0x16: {  	s3 =	sld [smem:$0x3FDB];
	s0 =	simm.s32 @p2 $0x1  }
0x17: {  	s4 =	simm.s32 $0x1BF5;
	[smem:$0x3FB5] =	sst s0  }
0x18: {  	s0 =	sld [smem:$0x3F98];
	_ =	swait.ge [sflag:s4], $0x0  }
0x19: {  	s7 =	sld [smem:$0x3F99]  }
0x1a: {  	s8 =	sadd.s32 $0xFFFFE003, lr  }
0x1b: {  	s9 =	sadd.s32 $0xFFFFFEF7, lr;
	s5 =	simm.s32 $0xFFFFFFFF;
	p2 =	slt.u32 s8, $0xFFFFF086  }
0x1c: {  	p1 =	slt.u32 s9, $0xF7A;
	s5 =	simm.s32 @!p2 $0x0  }
0x1d: {  	s5 =	simm.s32 @p1 $0x1;
	p0 =	seq.s32 s7, s2  }
0x1e: {  	s7 =	smul.u32 @!p0 $0xF7A, s2;
	p2 =	seq.s32 @!p0 s5, $0x0  }
0x1f: {  	s9 =	smul.u32 $0xF7A, s1;
	s8 =	simm.s32 @!p0 $0x1BF5;
	p2 =	por !p2, p0  }
0x20: {  	[sflag:s8] =	ssyncset.s32 @!p0 $0xFFFFF086;
	s6 =	sadd.s32 @!p0 s3, s7;
	s7 =	simm.s32 @!p0 $0x108  }
0x21: {  	s3 =	sadd.s32 s3, s9;
	s6 =	sadd.s32 @!p0 $0x88, s6;
	s7 =	simm.s32 @p2 $0x1082  }
0x22: {  	[simem:s7], [sflag:s8] =	dma.local @!p0 [hbm:s6], $0xF7A  }
0x23: {  	s9 =	sor.u32 $0xD0000000, s2;
	s6 =	simm.s32 $0x108;
	_ =	swait.ge @!p0 [sflag:s8], $0x0  }
0x24: {  	s3 =	sadd.s32 $0x88, s3;
	s6 =	simm.s32 @!p1 $0x1082;
	[sflag:s4] =	ssyncset.s32 $0xFFFFF086  }
0x25: {  	[simem:s6], [sflag:s4] =	dma.local [hbm:s3], $0xF7A  }
0x26: {  	[smem:$0x3F99] =	sst s1;
	(tag) =	ssettag s2;
	_ =	strace s9  }
0x27: {  	s1 =	sld [smem:$0x3FA9]  }
0x28: {  	s2 =	sld [smem:$0x3FAA]  }
0x29: {  	s4 =	sld [smem:$0x3FAC]  }
0x2a: {  	p0 =	seq.s32 s5, $0x0;
	s5 =	sld [smem:$0x3FAD]  }
0x2b: {  	s6 =	sld [smem:$0x3FAE]  }
0x2c: {  	s7 =	sld [smem:$0x3FAF]  }
0x2d: {  	s3 =	simm.s32 $0x108;
	s8 =	sld [smem:$0x3FB0]  }
0x2e: {  	s3 =	simm.s32 @!p0 $0x1082;
	s9 =	sld [smem:$0x3FB1]  }
0x2f: {  	lr =	sadd.s32 s0, s3;
	s0 =	sld [smem:$0x3FA8]  }
0x30: {  	s3 =	sld [smem:$0x3FAB]  }
0x31: {  	[smem:$0x3FB4] =	sst s10  }
0x32: {  	s10 =	sld [smem:$0x3FB2];
	_ =	sdelay $0x3  }
0x33: {  	p0 =	seq.s32 s10, $0x1;
	s10 =	sld [smem:$0x3FB4];
	_ =	sdelay $0x3  }
0x34: {  	[smem:$0x3FB4] =	sst s10  }
0x35: {  	s10 =	sld [smem:$0x3FB3];
	_ =	sdelay $0x3  }
0x36: {  	p1 =	seq.s32 s10, $0x1;
	s10 =	sld [smem:$0x3FB4];
	_ =	sdelay $0x3  }
0x37: {  	[smem:$0x3FB4] =	sst s10  }
0x38: {  	s10 =	sld [smem:$0x3FB5]  }
0x39: {  	_ = 	snop;
	(pc) =	sbr.ind lr, $3  }
0x3a: {  	_ = 	snop  }
0x3b: {  	_ = 	snop  }
0x3c: {  	p2 =	seq.s32 s10, $0x1;
	s10 =	sld [smem:$0x3FB4]  }
0x3d: {  	_ =	shalt  }
0x3e: {  	_ =	shalt  }
0x3f: {  	_ =	shalt  }
0x40: {  	_ =	shalt  }
0x41: {  	_ =	shalt  }
0x42: {  	_ =	shalt  }
0x43: {  	_ =	shalt  }
0x44: {  	_ =	shalt  }
0x45: {  	_ =	shalt  }
0x46: {  	_ =	shalt  }
0x47: {  	_ =	shalt  }
0x48: {  	_ =	shalt  }
0x49: {  	_ =	shalt  }
0x4a: {  	_ =	shalt  }
0x4b: {  	_ =	shalt  }
0x4c: {  	_ =	shalt  }
0x4d: {  	_ =	shalt  }
0x4e: {  	_ =	shalt  }
0x4f: {  	_ =	shalt  }
0x50: {  	_ =	shalt  }
0x51: {  	_ =	shalt  }
0x52: {  	_ =	shalt  }
0x53: {  	_ =	shalt  }
0x54: {  	_ =	shalt  }
0x55: {  	_ =	shalt  }
0x56: {  	_ =	shalt  }
0x57: {  	_ =	shalt  }
0x58: {  	_ =	shalt  }
0x59: {  	_ =	shalt  }
0x5a: {  	_ =	shalt  }
0x5b: {  	_ =	shalt  }
0x5c: {  	_ =	shalt  }
0x5d: {  	_ =	shalt  }
0x5e: {  	_ =	shalt  }
0x5f: {  	_ =	shalt  }
0x60: {  	_ =	shalt  }
0x61: {  	_ =	shalt  }
0x62: {  	_ =	shalt  }
0x63: {  	_ =	shalt  }
0x64: {  	_ =	shalt  }
0x65: {  	_ =	shalt  }
0x66: {  	_ =	shalt  }
0x67: {  	_ =	shalt  }
0x68: {  	_ =	shalt  }
0x69: {  	_ =	shalt  }
0x6a: {  	_ =	shalt  }
0x6b: {  	_ =	shalt  }
0x6c: {  	_ =	shalt  }
0x6d: {  	_ =	shalt  }
0x6e: {  	_ =	shalt  }
0x6f: {  	_ =	shalt  }
0x70: {  	_ =	shalt  }
0x71: {  	_ =	shalt  }
0x72: {  	_ =	shalt  }
0x73: {  	_ =	shalt  }
0x74: {  	_ =	shalt  }
0x75: {  	_ =	shalt  }
0x76: {  	_ =	shalt  }
0x77: {  	_ =	shalt  }
0x78: {  	_ =	shalt  }
0x79: {  	_ =	shalt  }
0x7a: {  	_ =	shalt  }
0x7b: {  	_ =	shalt  }
0x7c: {  	_ =	shalt  }
0x7d: {  	_ =	shalt  }
0x7e: {  	_ =	shalt  }
0x7f: {  	_ =	shalt  }
0x80: {  	_ =	shalt  }
0x81: {  	_ =	shalt  }
0x82: {  	_ =	shalt  }
0x83: {  	_ =	shalt  }
0x84: {  	_ =	shalt  }
0x85: {  	_ =	shalt  }
0x86: {  	_ =	shalt  }
0x87: {  	_ =	shalt  }
.Lfunc_end0:
.L_simem_size_0:
called_computation_lowered:
.L_overlay_start_0:
0x88: {  	s2 =	sld [smem:$0x3FD9]  }
0x89: {  	s3 =	sld [smem:$0x3FFE];
	_ =	sdelay $0x1  }
0x8a: {  	s1 =	srdreg.scid  }
0x8b: {  	s0 =	sand.u32 $0x1, s1  }
0x8c: {  	s16 =	sshll.u32 s0, $0xA;
	s2 =	sadd.s32 s3, s2  }
0x8d: {  	s2 =	sadd.s32 s2, s16  }
0x8e: {  	[smem:$0x3FC0] =	sst s2  }
0x8f: {  	_ = 	snop  }
0x90: {  	(tm) =	ssettm $0x1  }
0x91: {  	s17 =	sld [smem:$0x3FFB];
	_ =	sdelay $0x3  }
0x92: {  	_ =	strace s17  }
0x93: {  	s2 =	sld [smem:$0x3FFC];
	_ =	sdelay $0x3  }
0x94: {  	_ =	strace s2  }
0x95: {  	s2 =	sld [smem:$0x3FFD];
	_ =	sdelay $0x3  }
0x96: {  	_ =	strace s2  }
0x97: {  	_ =	strace $0x8FFFFFFF  }
0x98: {  	s18 =	sld [smem:$0x3FDB];
	_ =	sdelay $0x1  }
0x99: {  	s19 =	simm.s32 $_scs_section_size  }
0x9a: {  	s4 =	simm.s32 $_size__tile_overlayer_lowered;
	s5 =	simm.s32 $_tile_overlayer_lowered  }
0x9b: {  	s22 =	simm.s32 $0x1BFF;
	s21 =	sshll.u32 s5, $0x1;
	s2 =	sadd.s32 s19, s18  }
0x9c: {  	s6 =	simm.s32 $0x0;
	s20 =	sshll.u32 s4, $0x1;
	s4 =	sadd.s32 s21, s2  }
0x9d: {  	[timem:s6], [sflag:s22] =	dma.local [hbm:s4], s20  }
0x9e: {  	_ =	swait.ge [sflag:s22], s20  }
0x9f: {  	s3 =	ssub.s32 $0x0, s20;
	[sflag:s22] =	ssyncset.done $0x0  }
0xa0: {  	[sflag:s22] =	ssyncadd.s32 s3;
	_ =	sdelay $0x1  }
0xa1: {  	s23 =	simm.s32 $0x1B8B  }
0xa2: {  	_ =	swait.ge [sflag:s23], $0x1  }
0xa3: {  	[sflag:s23] =	ssyncset.done $0x0  }
0xa4: {  	s25 =	simm.s32 $0x1B8E;
	s24 =	sld [smem:$0x3FFE];
	[sflag:s23] =	ssyncadd.s32 $0xFFFFFFFF  }
0xa5: {  	s26 =	simm.s32 $execute0_lowered;
	[smem:$0x3FD2] =	sst s25  }
0xa6: {  	s4 =	sshll.u32 s26, $0x1;
	_ =	strace $0x80000046;
	[dreg:$0x1] =	wrdreg $0xFFFFFFFF  }
0xa7: {  	s28 =	simm.s32 $_size_execute0_lowered;
	s2 =	sadd.s32 s2, s4;
	[dreg:$0x0] =	wrdreg $0x0  }
0xa8: {  	s4 =	sshll.u32 s28, $0x1;
	[dreg:$0x2] =	wrdreg s2  }
0xa9: {  	[dreg:$0x3] =	wrdreg s4  }
0xaa: {  	[dreg:$0x4] =	wrdreg $0xC0  }
0xab: {  	_ =	task [dreg:s6], $0x5FFFF  }
0xac: {  	[dreg:$0x1] =	wrdreg $0xFFFFFFFF  }
0xad: {  	[dreg:$0x0] =	wrdreg $0x60  }
0xae: {  	[dreg:$0x2] =	wrdreg s24  }
0xaf: {  	[dreg:$0x3] =	wrdreg $0x9  }
0xb0: {  	_ =	task.clear_ibuf [dreg:s6], $0x4FFFF;
	_ =	strace $0x90000046  }
0xb1: {  	s29 =	simm.s32 $0x9;
	_ =	strace $0x80000048  }
0xb2: {  	_ =	swait.ge [sflag:s29], $0x1  }
0xb3: {  	[sflag:s29] =	ssyncadd.s32 $0xFFFFFFFF  }
0xb4: {  	_ =	strace $0x90000048  }
0xb5: {  	_ =	sfence  }
0xb6: {  	s30 =	sld [smem:$0x0];
	_ =	sdelay $0x2  }
0xb7: {  	s31 =	sshll.u32 s1, $0xD;
	s1 =	sshrl.u32 s1, $0x2  }
0xb8: {  	s3 =	sand.u32 $0x4000, s31;
	s1 =	sadd.s32 s1, s30  }
0xb9: {  	s0 =	sor.u32 s3, s0;
	s1 =	sshll.u32 s1, $0x11  }
0xba: {  	s0 =	sor.u32 s1, s0  }
0xbb: {  	s0 =	sadd.s32 $0x8F2B, s0  }
0xbc: {  	[sflag:s0] =	ssyncadd.remote.s32 $0x1  }
0xbd: {  	_ =	sfence.sel $0xFFFF  }
0xbe: {  	[dreg:$0x0] =	wrdreg $0xFFFFFFFF;
	(pc) =	sbr.abs _section_cstart, $3  }
0xbf: {  	[dreg:$0x1] =	wrdreg $0xFFFFFFFF  }
0xc0: {  	_ =	task.clear_ibuf [dreg:s6], $0x2FFFF;
	_ =	strace $0x9FFFFFFF  }
0xc1: {  	(tm) =	ssettm $0x7FFFFFFF  }
tec
execute0_lowered:
.L_overlay_start_1:
0x0: {  	(tag) =	ssettag $0x1  }
0x1: {  	s0 =	srdreg.scid  }
0x2: {  	s2 =	stileid.u32;
	s1 =	rddreg [dreg:$0x0];
	s7 =	simm.s32 $0x5  }
0x3: {  	s8 =	simm.s32 $0x64;
	s11 =	simm.s32 $0x7480;
	s12 =	simm.s32 $0xD0  }
0x4: {  	s13 =	simm.s32 $0x8100;
	s14 =	simm.s32 $0x138;
	s15 =	simm.s32 $0x8D80  }
0x5: {  	s16 =	simm.s32 $0x1A0;
	s17 =	simm.s32 $0x9A00;
	s18 =	simm.s32 $0x208  }
0x6: {  	s19 =	simm.s32 $0xA680;
	s20 =	simm.s32 $0x1;
	s21 =	simm.s32 $0xB300  }
0x7: {  	s22 =	simm.s32 $0xBF80;
	s23 =	simm.s32 $0x2;
	s24 =	simm.s32 $0x3  }
0x8: {  	s25 =	simm.s32 $0x4;
	s26 =	simm.s32 $0xCC00;
	s0 =	sand.u32 $0x1, s0  }
0x9: {  	s3 =	sshll.u32 s2, $0x8;
	s2 =	simm.s32 $0x0;
	s4 =	sshll.u32 s0, $0x7  }
0xa: {  	s28 =	simm.s32 $0x0;
	[smem:$0x7FF] =	sst s2;
	s3 =	sor.u32 s4, s3  }
0xb: {  	s0 =	ssub.s32 $0x2, s0;
	_ =	strace $0x80000047;
	s4 =	smul.u32 $0x1A, s3  }
0xc: {  	s6 =	sshrl.u32 s0, $0x1;
	s5 =	sshll.u32 s3, $0x3;
	s3 =	sadd.s32 $0x1B000, s1  }
0xd: {  	s0 =	ssub.s32 s0, s6;
	s4 =	sadd.s32 s4, s1;
	s1 =	sadd.s32 s5, s1  }
0xe: {  	s6 =	smax.u32 s0, $0x1;
	s4 =	sadd.s32 $0x1000, s4;
	s5 =	sadd.s32 $0x3FB000, s1  }
.LBB2_1:
0xf: {  	[tilespmem:s2], [sflag:$0x5] =	stream.linear.gather [hbm4b:s4+s2], $0x6800, $0x38;
	[tilespmem:$0xEC00] =	vst v63  }
0x10: {  	_ =	swait.ge [sflag:s7], $0x6800  }
0x11: {  	[sflag:s7] =	ssyncset.done $0x0  }
0x12: {  	s0 =	simm.s32 $0x6800;
	[sflag:s7] =	ssyncadd.s32 $0xFFFF9800  }
0x13: {  	[tilespmem:s0], [sflag:$0x1] =	stream.indirect.gather [hbm4b:s3+s8], $0x20, s2, s8, $0xb8;
	[tilespmem:$0xEC00] =	vst v63  }
0x14: {  	s31 =	simm.s32 $0x68  }
0x15: {  	[tilespmem:s11], [sflag:$0x1] =	stream.indirect.gather [hbm4b:s3+s8], $0x20, s31, s8, $0xb8;
	[tilespmem:$0xEC00] =	vst v63  }
0x16: {  	_ = 	snop  }
0x17: {  	[tilespmem:s13], [sflag:$0x2] =	stream.indirect.gather [hbm4b:s3+s8], $0x20, s12, s8, $0xb8;
	[tilespmem:$0xEC00] =	vst v63  }
0x18: {  	_ = 	snop  }
0x19: {  	[tilespmem:s15], [sflag:$0x2] =	stream.indirect.gather [hbm4b:s3+s8], $0x20, s14, s8, $0xb8;
	[tilespmem:$0xEC00] =	vst v63  }
0x1a: {  	_ = 	snop  }
0x1b: {  	[tilespmem:s17], [sflag:$0x3] =	stream.indirect.gather [hbm4b:s3+s8], $0x20, s16, s8, $0xb8;
	[tilespmem:$0xEC00] =	vst v63  }
0x1c: {  	s29 =	simm.s32 $0x0  }
0x1d: {  	[tilespmem:s19], [sflag:$0x3] =	stream.indirect.gather [hbm4b:s3+s8], $0x20, s18, s8, $0xb8;
	[tilespmem:$0xEC00] =	vst v63  }
.LBB2_2:
0x1e: {  	_ =	swait.ge [sflag:s20], $0xC80  }
0x1f: {  	[sflag:s20] =	ssyncset.done $0x0  }
0x20: {  	s30 =	sshllo.u32 s29, $0x2;
	[sflag:s20] =	ssyncadd.s32 $0xFFFFF380  }
0x21: {  	s0 =	smul.u32 $0x340, s30;
	_ =	swait.ge [sflag:s20], $0xC80  }
0x22: {  	[sflag:s20] =	ssyncset.done $0x0  }
0x23: {  	s0 =	sshra.s32 s0, $0x2;
	[sflag:s20] =	ssyncadd.s32 $0xFFFFF380  }
0x24: {  	[tilespmem:s21], [sflag:$0x4] =	stream.indirect.gather [hbm4b:s3+s8], $0x20, s0, s8, $0xb8;
	[tilespmem:$0xEC00] =	vst v63  }
0x25: {  	s10 =	simm.s32 $0x0;
	s0 =	sadd.s32 $0x68, s0  }
0x26: {  	[tilespmem:s22], [sflag:$0x4] =	stream.indirect.gather [hbm4b:s3+s8], $0x20, s0, s8, $0xb8;
	[tilespmem:$0xEC00] =	vst v63  }
0x27: {  	v0 =	vld [tilespmem:s10+$0x7480]  }
0x28: {  	v1 =	vld [tilespmem:s10+$0x6800]  }
0x29: {  	v2 =	vld [tilespmem:s10+$0x6810];
	_ =	sdelay $0x1  }
0x2a: {  	v9 =	vld [tilespmem:s10+$0x7490]  }
0x2b: {  	s31 =	simm.s32 $0x20  }
0x2c: {  	v4 =	vimm.f32 $0.0e+00;
	v3 =	vld [tilespmem:s31+$0x6800];
	v5 =	vshll.u32 v0, $0x10;
	v10 =	vand.u32 $0xFFFF0000, v0  }
0x2d: {  	v0 =	vld [tilespmem:s31+$0x7480];
	v6 =	vshll.u32 v1, $0x10;
	v1 =	vand.u32 $0xFFFF0000, v1;
	v7 =	vshll.u32 v2, $0x10  }
0x2e: {  	v11 =	vadd.f32 v6, v4;
	v12 =	vadd.f32 v1, v4;
	v1 =	vand.u32 $0xFFFF0000, v2;
	v2 =	vld [tilespmem:s31+$0x6810]  }
0x2f: {  	v8 =	vshll.u32 v9, $0x10;
	v6 =	vadd.f32 v7, v4;
	v7 =	vadd.f32 v1, v4  }
0x30: {  	s1 =	simm.s32 $0x100;
	v9 =	vand.u32 $0xFFFF0000, v9;
	v1 =	vld [tilespmem:s31+$0x7490];
	v5 =	vadd.f32 v5, v11;
	v4 =	vadd.f32 v10, v12  }
.LBB2_3:
0x31: {  	s0 =	sshra.s32 s1, $0x2;
	v6 =	vadd.f32 v8, v6;
	v7 =	vadd.f32 v9, v7;
	p0 =	sne.s32 s1, $0x3180  }
.Ltmp0:
0x32: {  	v9 =	vshll.u32 v0, $0x10;
	v10 =	vand.u32 $0xFFFF0000, v0;
	v0 =	vld [tilespmem:s0+$0x7480];
	(pc) =	sbr.rel @p0 .LBB2_3-.Ltmp0, $4  }
0x33: {  	v8 =	vshll.u32 v3, $0x10;
	v11 =	vand.u32 $0xFFFF0000, v3;
	v3 =	vld [tilespmem:s0+$0x6800];
	v12 =	vshll.u32 v2, $0x10  }
0x34: {  	s1 =	sadd.s32 $0x80, s1;
	v5 =	vadd.f32 v8, v5;
	v4 =	vadd.f32 v11, v4;
	v8 =	vand.u32 $0xFFFF0000, v2;
	v2 =	vld [tilespmem:s0+$0x6810]  }
0x35: {  	v6 =	vadd.f32 v12, v6;
	v7 =	vadd.f32 v8, v7;
	v8 =	vshll.u32 v1, $0x10  }
0x36: {  	v5 =	vadd.f32 v9, v5;
	v4 =	vadd.f32 v10, v4;
	v9 =	vand.u32 $0xFFFF0000, v1;
	v1 =	vld [tilespmem:s0+$0x7490]  }
0x37: {  	_ = 	snop  }
0x38: {  	v6 =	vadd.f32 v8, v6;
	v7 =	vadd.f32 v9, v7;
	v8 =	vshll.u32 v3, $0x10  }
0x39: {  	v3 =	vand.u32 $0xFFFF0000, v3;
	v9 =	vshll.u32 v2, $0x10;
	v5 =	vadd.f32 v8, v5  }
0x3a: {  	v8 =	vshll.u32 v0, $0x10;
	v3 =	vadd.f32 v3, v4;
	v2 =	vand.u32 $0xFFFF0000, v2  }
0x3b: {  	s0 =	sshll.u32 s29, $0x8;
	v0 =	vand.u32 $0xFFFF0000, v0;
	v4 =	vadd.f32 v9, v6;
	v5 =	vadd.f32 v8, v5  }
0x3c: {  	s31 =	sand.u32 $0x3FFFFF00, s0;
	v2 =	vadd.f32 v2, v7;
	v6 =	vshll.u32 v1, $0x10;
	v0 =	vadd.f32 v0, v3  }
0x3d: {  	v1 =	vand.u32 $0xFFFF0000, v1;
	v4 =	vadd.f32 v6, v4;
	[tilespmem:s31+$0xCC00] =	vst v5  }
0x3e: {  	v1 =	vadd.f32 v1, v2;
	[tilespmem:s31+$0xCC20] =	vst v0  }
0x3f: {  	[tilespmem:s31+$0xCC10] =	vst v4  }
0x40: {  	[tilespmem:s31+$0xCC30] =	vst v1  }
0x41: {  	_ =	swait.ge [sflag:s23], $0xC80  }
0x42: {  	p0 =	seq.s32 s29, $0x1F;
	[sflag:s23] =	ssyncset.done $0x0  }
0x43: {  	s0 =	smul.u32 @!p0 $0xD00, s29;
	[sflag:s23] =	ssyncadd.s32 $0xFFFFF380  }
0x44: {  	_ =	swait.ge [sflag:s23], $0xC80  }
0x45: {  	s9 =	simm.s32 @!p0 $0x64;
	s1 =	sshra.s32 @!p0 s0, $0x2;
	[sflag:s23] =	ssyncset.done $0x0  }
0x46: {  	s10 =	simm.s32 @!p0 $0x6800;
	s0 =	sadd.s32 @!p0 $0x340, s1;
	[sflag:s23] =	ssyncadd.s32 $0xFFFFF380  }
0x47: {  	[tilespmem:s10], [sflag:$0x1] =	stream.indirect.gather @!p0 [hbm4b:s3+s9], $0x20, s0, s9, $0xb8;
	[tilespmem:$0xEC00] =	vst v63  }
0x48: {  	s0 =	sadd.s32 @!p0 $0x3A8, s1;
	s10 =	simm.s32 @!p0 $0x7480  }
0x49: {  	[tilespmem:s10], [sflag:$0x1] =	stream.indirect.gather @!p0 [hbm4b:s3+s9], $0x20, s0, s9, $0xb8;
	[tilespmem:$0xEC00] =	vst v63  }
0x4a: {  	s9 =	simm.s32 $0x0  }
0x4b: {  	v0 =	vld [tilespmem:s9+$0x8D80]  }
0x4c: {  	v1 =	vld [tilespmem:s9+$0x8100]  }
0x4d: {  	v2 =	vld [tilespmem:s9+$0x8110];
	_ =	sdelay $0x1  }
0x4e: {  	v9 =	vld [tilespmem:s9+$0x8D90]  }
0x4f: {  	s10 =	simm.s32 $0x20  }
0x50: {  	v4 =	vimm.f32 $0.0e+00;
	v3 =	vld [tilespmem:s10+$0x8100];
	v5 =	vshll.u32 v0, $0x10;
	v10 =	vand.u32 $0xFFFF0000, v0  }
0x51: {  	v0 =	vld [tilespmem:s10+$0x8D80];
	v6 =	vshll.u32 v1, $0x10;
	v1 =	vand.u32 $0xFFFF0000, v1;
	v7 =	vshll.u32 v2, $0x10  }
0x52: {  	v11 =	vadd.f32 v6, v4;
	v12 =	vadd.f32 v1, v4;
	v1 =	vand.u32 $0xFFFF0000, v2;
	v2 =	vld [tilespmem:s10+$0x8110]  }
0x53: {  	v8 =	vshll.u32 v9, $0x10;
	v6 =	vadd.f32 v7, v4;
	v7 =	vadd.f32 v1, v4  }
0x54: {  	s0 =	simm.s32 $0x100;
	v9 =	vand.u32 $0xFFFF0000, v9;
	v1 =	vld [tilespmem:s10+$0x8D90];
	v5 =	vadd.f32 v5, v11;
	v4 =	vadd.f32 v10, v12  }
.LBB2_5:
0x55: {  	s9 =	sshra.s32 s0, $0x2;
	v6 =	vadd.f32 v8, v6;
	v7 =	vadd.f32 v9, v7;
	p1 =	sne.s32 s0, $0x3180  }
.Ltmp1:
0x56: {  	v9 =	vshll.u32 v0, $0x10;
	v10 =	vand.u32 $0xFFFF0000, v0;
	v0 =	vld [tilespmem:s9+$0x8D80];
	(pc) =	sbr.rel @p1 .LBB2_5-.Ltmp1, $4  }
0x57: {  	v8 =	vshll.u32 v3, $0x10;
	v11 =	vand.u32 $0xFFFF0000, v3;
	v3 =	vld [tilespmem:s9+$0x8100];
	v12 =	vshll.u32 v2, $0x10  }
0x58: {  	s0 =	sadd.s32 $0x80, s0;
	v5 =	vadd.f32 v8, v5;
	v4 =	vadd.f32 v11, v4;
	v8 =	vand.u32 $0xFFFF0000, v2;
	v2 =	vld [tilespmem:s9+$0x8110]  }
0x59: {  	v6 =	vadd.f32 v12, v6;
	v7 =	vadd.f32 v8, v7;
	v8 =	vshll.u32 v1, $0x10  }
0x5a: {  	v5 =	vadd.f32 v9, v5;
	v4 =	vadd.f32 v10, v4;
	v9 =	vand.u32 $0xFFFF0000, v1;
	v1 =	vld [tilespmem:s9+$0x8D90]  }
0x5b: {  	_ = 	snop  }
0x5c: {  	v6 =	vadd.f32 v8, v6;
	v7 =	vadd.f32 v9, v7;
	v8 =	vshll.u32 v3, $0x10  }
0x5d: {  	v3 =	vand.u32 $0xFFFF0000, v3;
	v9 =	vshll.u32 v2, $0x10;
	v5 =	vadd.f32 v8, v5  }
0x5e: {  	v8 =	vshll.u32 v0, $0x10;
	v3 =	vadd.f32 v3, v4;
	v2 =	vand.u32 $0xFFFF0000, v2  }
0x5f: {  	v0 =	vand.u32 $0xFFFF0000, v0;
	v4 =	vadd.f32 v9, v6;
	v5 =	vadd.f32 v8, v5  }
0x60: {  	v2 =	vadd.f32 v2, v7;
	v6 =	vshll.u32 v1, $0x10;
	v0 =	vadd.f32 v0, v3  }
0x61: {  	v1 =	vand.u32 $0xFFFF0000, v1;
	v4 =	vadd.f32 v6, v4;
	[tilespmem:s31+$0xCC40] =	vst v5  }
0x62: {  	v1 =	vadd.f32 v1, v2;
	[tilespmem:s31+$0xCC60] =	vst v0  }
0x63: {  	[tilespmem:s31+$0xCC50] =	vst v4  }
0x64: {  	[tilespmem:s31+$0xCC70] =	vst v1  }
0x65: {  	_ =	swait.ge [sflag:s24], $0xC80  }
0x66: {  	[sflag:s24] =	ssyncset.done $0x0  }
0x67: {  	[sflag:s24] =	ssyncadd.s32 $0xFFFFF380  }
0x68: {  	_ =	swait.ge [sflag:s24], $0xC80  }
0x69: {  	s0 =	sadd.s32 @!p0 $0x410, s1;
	[sflag:s24] =	ssyncset.done $0x0  }
0x6a: {  	s9 =	simm.s32 @!p0 $0x64;
	s10 =	simm.s32 @!p0 $0x8100;
	[sflag:s24] =	ssyncadd.s32 $0xFFFFF380  }
0x6b: {  	[tilespmem:s10], [sflag:$0x2] =	stream.indirect.gather @!p0 [hbm4b:s3+s9], $0x20, s0, s9, $0xb8;
	[tilespmem:$0xEC00] =	vst v63  }
0x6c: {  	s0 =	sadd.s32 @!p0 $0x478, s1;
	s10 =	simm.s32 @!p0 $0x8D80  }
0x6d: {  	[tilespmem:s10], [sflag:$0x2] =	stream.indirect.gather @!p0 [hbm4b:s3+s9], $0x20, s0, s9, $0xb8;
	[tilespmem:$0xEC00] =	vst v63  }
0x6e: {  	s9 =	simm.s32 $0x0  }
0x6f: {  	v0 =	vld [tilespmem:s9+$0xA680]  }
0x70: {  	v1 =	vld [tilespmem:s9+$0x9A00]  }
0x71: {  	v2 =	vld [tilespmem:s9+$0x9A10];
	_ =	sdelay $0x1  }
0x72: {  	v9 =	vld [tilespmem:s9+$0xA690]  }
0x73: {  	s10 =	simm.s32 $0x20  }
0x74: {  	v4 =	vimm.f32 $0.0e+00;
	v3 =	vld [tilespmem:s10+$0x9A00];
	v5 =	vshll.u32 v0, $0x10;
	v10 =	vand.u32 $0xFFFF0000, v0  }
0x75: {  	v0 =	vld [tilespmem:s10+$0xA680];
	v6 =	vshll.u32 v1, $0x10;
	v1 =	vand.u32 $0xFFFF0000, v1;
	v7 =	vshll.u32 v2, $0x10  }
0x76: {  	v11 =	vadd.f32 v6, v4;
	v12 =	vadd.f32 v1, v4;
	v1 =	vand.u32 $0xFFFF0000, v2;
	v2 =	vld [tilespmem:s10+$0x9A10]  }
0x77: {  	v8 =	vshll.u32 v9, $0x10;
	v6 =	vadd.f32 v7, v4;
	v7 =	vadd.f32 v1, v4  }
0x78: {  	s0 =	simm.s32 $0x100;
	v9 =	vand.u32 $0xFFFF0000, v9;
	v1 =	vld [tilespmem:s10+$0xA690];
	v5 =	vadd.f32 v5, v11;
	v4 =	vadd.f32 v10, v12  }
.LBB2_7:
0x79: {  	s9 =	sshra.s32 s0, $0x2;
	v6 =	vadd.f32 v8, v6;
	v7 =	vadd.f32 v9, v7;
	p1 =	sne.s32 s0, $0x3180  }
.Ltmp2:
0x7a: {  	v9 =	vshll.u32 v0, $0x10;
	v10 =	vand.u32 $0xFFFF0000, v0;
	v0 =	vld [tilespmem:s9+$0xA680];
	(pc) =	sbr.rel @p1 .LBB2_7-.Ltmp2, $4  }
0x7b: {  	v8 =	vshll.u32 v3, $0x10;
	v11 =	vand.u32 $0xFFFF0000, v3;
	v3 =	vld [tilespmem:s9+$0x9A00];
	v12 =	vshll.u32 v2, $0x10  }
0x7c: {  	s0 =	sadd.s32 $0x80, s0;
	v5 =	vadd.f32 v8, v5;
	v4 =	vadd.f32 v11, v4;
	v8 =	vand.u32 $0xFFFF0000, v2;
	v2 =	vld [tilespmem:s9+$0x9A10]  }
0x7d: {  	v6 =	vadd.f32 v12, v6;
	v7 =	vadd.f32 v8, v7;
	v8 =	vshll.u32 v1, $0x10  }
0x7e: {  	v5 =	vadd.f32 v9, v5;
	v4 =	vadd.f32 v10, v4;
	v9 =	vand.u32 $0xFFFF0000, v1;
	v1 =	vld [tilespmem:s9+$0xA690]  }
0x7f: {  	_ = 	snop  }
0x80: {  	v6 =	vadd.f32 v8, v6;
	v7 =	vadd.f32 v9, v7;
	v8 =	vshll.u32 v3, $0x10  }
0x81: {  	v3 =	vand.u32 $0xFFFF0000, v3;
	v9 =	vshll.u32 v2, $0x10;
	v5 =	vadd.f32 v8, v5  }
0x82: {  	v8 =	vshll.u32 v0, $0x10;
	v3 =	vadd.f32 v3, v4;
	v2 =	vand.u32 $0xFFFF0000, v2  }
0x83: {  	v0 =	vand.u32 $0xFFFF0000, v0;
	v4 =	vadd.f32 v9, v6;
	v5 =	vadd.f32 v8, v5  }
0x84: {  	v2 =	vadd.f32 v2, v7;
	v6 =	vshll.u32 v1, $0x10;
	v0 =	vadd.f32 v0, v3  }
0x85: {  	v1 =	vand.u32 $0xFFFF0000, v1;
	v4 =	vadd.f32 v6, v4;
	[tilespmem:s31+$0xCC80] =	vst v5  }
0x86: {  	v1 =	vadd.f32 v1, v2;
	[tilespmem:s31+$0xCCA0] =	vst v0  }
0x87: {  	[tilespmem:s31+$0xCC90] =	vst v4  }
0x88: {  	[tilespmem:s31+$0xCCB0] =	vst v1  }
0x89: {  	_ =	swait.ge [sflag:s25], $0xC80  }
0x8a: {  	[sflag:s25] =	ssyncset.done $0x0  }
0x8b: {  	[sflag:s25] =	ssyncadd.s32 $0xFFFFF380  }
0x8c: {  	_ =	swait.ge [sflag:s25], $0xC80  }
0x8d: {  	s0 =	sadd.s32 @!p0 $0x4E0, s1;
	[sflag:s25] =	ssyncset.done $0x0  }
0x8e: {  	s9 =	simm.s32 @!p0 $0x64;
	s10 =	simm.s32 @!p0 $0x9A00;
	[sflag:s25] =	ssyncadd.s32 $0xFFFFF380  }
0x8f: {  	[tilespmem:s10], [sflag:$0x3] =	stream.indirect.gather @!p0 [hbm4b:s3+s9], $0x20, s0, s9, $0xb8;
	[tilespmem:$0xEC00] =	vst v63  }
0x90: {  	s0 =	sadd.s32 @!p0 $0x548, s1;
	s1 =	simm.s32 @!p0 $0xA680;
	s10 =	simm.s32 $0x0  }
0x91: {  	[tilespmem:s1], [sflag:$0x3] =	stream.indirect.gather @!p0 [hbm4b:s3+s9], $0x20, s0, s9, $0xb8;
	[tilespmem:$0xEC00] =	vst v63  }
0x92: {  	v0 =	vld [tilespmem:s10+$0xBF80]  }
0x93: {  	v1 =	vld [tilespmem:s10+$0xB300]  }
0x94: {  	v2 =	vld [tilespmem:s10+$0xB310];
	_ =	sdelay $0x1  }
0x95: {  	v9 =	vld [tilespmem:s10+$0xBF90]  }
0x96: {  	s31 =	simm.s32 $0x20  }
0x97: {  	v4 =	vimm.f32 $0.0e+00;
	v3 =	vld [tilespmem:s31+$0xB300];
	v5 =	vshll.u32 v0, $0x10;
	v10 =	vand.u32 $0xFFFF0000, v0  }
0x98: {  	v0 =	vld [tilespmem:s31+$0xBF80];
	v6 =	vshll.u32 v1, $0x10;
	v1 =	vand.u32 $0xFFFF0000, v1;
	v7 =	vshll.u32 v2, $0x10  }
0x99: {  	v11 =	vadd.f32 v6, v4;
	v12 =	vadd.f32 v1, v4;
	v1 =	vand.u32 $0xFFFF0000, v2;
	v2 =	vld [tilespmem:s31+$0xB310]  }
0x9a: {  	v8 =	vshll.u32 v9, $0x10;
	v6 =	vadd.f32 v7, v4;
	v7 =	vadd.f32 v1, v4  }
0x9b: {  	s0 =	simm.s32 $0x100;
	v9 =	vand.u32 $0xFFFF0000, v9;
	v1 =	vld [tilespmem:s31+$0xBF90];
	v5 =	vadd.f32 v5, v11;
	v4 =	vadd.f32 v10, v12  }
.LBB2_9:
0x9c: {  	s1 =	sshra.s32 s0, $0x2;
	v6 =	vadd.f32 v8, v6;
	v7 =	vadd.f32 v9, v7;
	p0 =	sne.s32 s0, $0x3180  }
.Ltmp3:
0x9d: {  	v9 =	vshll.u32 v0, $0x10;
	v10 =	vand.u32 $0xFFFF0000, v0;
	v0 =	vld [tilespmem:s1+$0xBF80];
	(pc) =	sbr.rel @p0 .LBB2_9-.Ltmp3, $4  }
0x9e: {  	v8 =	vshll.u32 v3, $0x10;
	v11 =	vand.u32 $0xFFFF0000, v3;
	v3 =	vld [tilespmem:s1+$0xB300];
	v12 =	vshll.u32 v2, $0x10  }
0x9f: {  	s0 =	sadd.s32 $0x80, s0;
	v5 =	vadd.f32 v8, v5;
	v4 =	vadd.f32 v11, v4;
	v8 =	vand.u32 $0xFFFF0000, v2;
	v2 =	vld [tilespmem:s1+$0xB310]  }
0xa0: {  	v6 =	vadd.f32 v12, v6;
	v7 =	vadd.f32 v8, v7;
	v8 =	vshll.u32 v1, $0x10  }
0xa1: {  	v5 =	vadd.f32 v9, v5;
	v4 =	vadd.f32 v10, v4;
	v9 =	vand.u32 $0xFFFF0000, v1;
	v1 =	vld [tilespmem:s1+$0xBF90]  }
0xa2: {  	_ = 	snop  }
0xa3: {  	v6 =	vadd.f32 v8, v6;
	v7 =	vadd.f32 v9, v7;
	v55 =	vshll.u32 v3, $0x10  }
0xa4: {  	v58 =	vshll.u32 v0, $0x10;
	v56 =	vand.u32 $0xFFFF0000, v3;
	v5 =	vadd.f32 v55, v5  }
0xa5: {  	v62 =	vand.u32 $0xFFFF0000, v0;
	s29 =	sadd.s32 $0x1, s29;
	v57 =	vshll.u32 v2, $0x10;
	v3 =	vadd.f32 v56, v4  }
0xa6: {  	s0 =	sshll.u32 s30, $0x6;
	p0 =	sne.s32 s29, $0x20;
	v60 =	vand.u32 $0xFFFF0000, v2;
	v59 =	vadd.f32 v57, v6;
	v5 =	vadd.f32 v58, v5  }
.Ltmp4:
0xa7: {  	s0 =	sand.u32 $0x3FFFFFC0, s0;
	v2 =	vadd.f32 v60, v7;
	v61 =	vshll.u32 v1, $0x10;
	v0 =	vadd.f32 v62, v3;
	(pc) =	sbr.rel @p0 .LBB2_2-.Ltmp4, $4  }
0xa8: {  	v63 =	vand.u32 $0xFFFF0000, v1;
	v4 =	vadd.f32 v61, v59;
	[tilespmem:s0+$0xCC00] =	vst v5  }
0xa9: {  	v1 =	vadd.f32 v63, v2;
	[tilespmem:s0+$0xCC20] =	vst v0  }
0xaa: {  	[tilespmem:s0+$0xCC10] =	vst v4  }
0xab: {  	[tilespmem:s0+$0xCC30] =	vst v1  }
0xac: {  	s28 =	sadd.s32 $0x1, s28  }
0xad: {  	p0 =	sne.s32 s28, s6  }
.Ltmp5:
0xae: {  	_ = 	snop;
	(pc) =	sbr.rel @p0 .LBB2_1-.Ltmp5, $4  }
0xaf: {  	[hbm4b:s5+s2] =	stream.linear.scatter [tilespmem:s26], [sflag:$0x5], $0x2000, $0x38;
	[tilespmem:$0xEC00] =	vst v63  }
0xb0: {  	_ =	swait.ge [sflag:s7], $0x2000  }
0xb1: {  	[sflag:s7] =	ssyncset.done $0x0  }
0xb2: {  	[sflag:s7] =	ssyncadd.s32 $0xFFFFE000  }
0xb3: {  	_ =	sfence.sel $0x180000  }
0xb4: {  	[bflag:$0x0] =	sbarrier.arrive $0xFFFF  }
0xb5: {  	_ =	strace $0x90000047  }
0xb6: {  	s0 =	stileid.u32;
	[bflag:$0x2] =	sbarrier.arrive $0xFFFF  }
0xb7: {  	p0 =	sne.s32 s0, $0x0;
	s0 =	rddreg [dreg:$0x1]  }
0xb8: {  	s0 =	sadd.s32 @!p0 $0x100000, s0  }
0xb9: {  	[sflag:s0] =	ssyncadd.tile.s32 @!p0 $0x1;
	_ =	shalt  }
.Lfunc_end2:
_tile_overlayer_lowered:
.L_overlay_start_2:
0xba: {  	(tag) =	ssettag $0x2  }
0xbb: {  	s0 =	rddreg [dreg:$0x0];
	s2 =	stileid.u32  }
0xbc: {  	s1 =	rddreg [dreg:$0x1];
	p0 =	sne.s32 s2, $0x0  }
0xbd: {  	s3 =	rddreg [dreg:$0x2];
	[bflag:$0x3] =	sbarrier.arrive $0xFFFF;
	s2 =	simm.s32 @!p0 $0x1C05  }
0xbe: {  	[timem:s3], [sflag:s2] =	dma.local @!p0 [hbm:s0], s1  }
0xbf: {  	s0 =	simm.s32 @!p0 $0x5  }
0xc0: {  	_ =	swait.ge @!p0 [sflag:s0], s1  }
0xc1: {  	s1 =	ssub.s32 @!p0 $0x0, s1;
	[sflag:s0] =	ssyncset.done @!p0 $0x0  }
0xc2: {  	[sflag:s0] =	ssyncadd.s32 @!p0 s1  }
0xc3: {  	[bflag:$0x3] =	sbarrier.arrive $0xFFFF  }
0xc4: {  	_ =	shalt  }

</sc_bundles>
